<compile_context>
chip_gen: v7x
topology: tpu7x:2x2x1
jax: 0.10.2.dev20260603
libtpu: 0.0.44.dev20260713+nightly
codegen_flags: <defaults>
</compile_context>

<pallas_src>
import functools

import jax
import jax.numpy as jnp
from jax import lax
from jax.experimental import pallas as pl
from jax.experimental.pallas import tpu as pltpu
from jax.experimental.pallas import tpu_sc as plsc

NC = 2
NS = 16
NW = NC * NS
CH = 128

N = 10000
NP = 10016
NACC = 10240
RPS = NACC // NS

F_IN = 128
H1 = 8
C1 = 16
HC1 = H1 * C1
D1 = HC1 + 16
NCLS = 40
D2 = 64

ETOT = N + 320000
EP = ((ETOT + NW * CH - 1) // (NW * CH)) * (NW * CH)
CPW = EP // (NW * CH)

_mesh = plsc.VectorSubcoreMesh(
    core_axis_name="c", subcore_axis_name="s", num_cores=NC, num_subcores=NS)
_sc_params = pltpu.CompilerParams(use_tc_tiling_on_sc=False)


def _zero_vmem(zv, d):
    cols = d // 16

    def body(k, _):
        zv[k // cols, pl.ds((k % cols) * 16, 16)] = jnp.zeros((16,), jnp.float32)
        return _

    lax.fori_loop(0, 8 * cols, body, None)


def _zero_acc(zv, acc, base):
    def body(r, _):
        pltpu.sync_copy(zv, acc.at[pl.ds(base + r * 8, 8)])
        return _

    lax.fori_loop(0, RPS // 8, body, None)


def _writeback(acc, out_hbm, cid, base):
    def body(r, _):
        pltpu.sync_copy(acc.at[pl.ds(base + r * 8, 8)],
                        out_hbm.at[cid, pl.ds(base + r * 8, 8)])
        return _

    lax.fori_loop(0, RPS // 8, body, None)


@functools.partial(
    pl.kernel,
    out_type=jax.ShapeDtypeStruct((NC, NACC, D1), jnp.float32),
    mesh=_mesh,
    compiler_params=_sc_params,
    scratch_types=[
        pltpu.VMEM((CH,), jnp.int32),
        pltpu.VMEM((CH,), jnp.int32),
        pltpu.VMEM((CH, D1), jnp.float32),
        pltpu.VMEM((CH, 16), jnp.float32),
        pltpu.VMEM((8, D1), jnp.float32),
        pltpu.VMEM_SHARED((NACC, D1), jnp.float32),
        pltpu.SemaphoreType.DMA,
        pltpu.SemaphoreType.DMA,
    ],
)
def _sc_layer1(src_hbm, dst_hbm, tab_hbm, adt_hbm, out_hbm,
               srcv, dstv, rows, adv, zv, acc, sem_t, sem_a):
    cid = lax.axis_index("c")
    sid = lax.axis_index("s")
    wid = sid * NC + cid

    _zero_vmem(zv, D1)
    _zero_acc(zv, acc, sid * RPS)
    plsc.subcore_barrier()

    ebase = wid * (CPW * CH)

    def chunk(ci, _):
        off = ebase + ci * CH
        pltpu.sync_copy(src_hbm.at[pl.ds(off, CH)], srcv)
        pltpu.sync_copy(dst_hbm.at[pl.ds(off, CH)], dstv)
        cp_t = pltpu.async_copy(tab_hbm.at[srcv], rows, sem_t)
        cp_a = pltpu.async_copy(adt_hbm.at[dstv], adv, sem_a)
        cp_t.wait()
        cp_a.wait()

        def edge(e, _):
            s = rows[e, pl.ds(HC1, 16)] + adv[e, :]
            ex = jnp.exp(jnp.maximum(s, 0.2 * s))
            rows[e, pl.ds(HC1, 16)] = ex
            for h in range(H1):
                f = ex[h]
                rows[e, pl.ds(h * 16, 16)] = rows[e, pl.ds(h * 16, 16)] * f
            return _

        lax.fori_loop(0, CH, edge, None)
        pltpu.sync_copy(rows, acc.at[dstv], add=True)
        return _

    lax.fori_loop(0, CPW, chunk, None)
    plsc.subcore_barrier()
    _writeback(acc, out_hbm, cid, sid * RPS)


@functools.partial(
    pl.kernel,
    out_type=jax.ShapeDtypeStruct((NC, NACC, D2), jnp.float32),
    mesh=_mesh,
    compiler_params=_sc_params,
    scratch_types=[
        pltpu.VMEM((CH,), jnp.int32),
        pltpu.VMEM((CH,), jnp.int32),
        pltpu.VMEM((CH, D2), jnp.float32),
        pltpu.VMEM((CH, 16), jnp.float32),
        pltpu.VMEM((8, D2), jnp.float32),
        pltpu.VMEM_SHARED((NACC, D2), jnp.float32),
        pltpu.SemaphoreType.DMA,
        pltpu.SemaphoreType.DMA,
    ],
)
def _sc_layer2(src_hbm, dst_hbm, tab_hbm, adt_hbm, out_hbm,
               srcv, dstv, rows, adv, zv, acc, sem_t, sem_a):
    cid = lax.axis_index("c")
    sid = lax.axis_index("s")
    wid = sid * NC + cid

    _zero_vmem(zv, D2)
    _zero_acc(zv, acc, sid * RPS)
    plsc.subcore_barrier()

    ebase = wid * (CPW * CH)

    def chunk(ci, _):
        off = ebase + ci * CH
        pltpu.sync_copy(src_hbm.at[pl.ds(off, CH)], srcv)
        pltpu.sync_copy(dst_hbm.at[pl.ds(off, CH)], dstv)
        cp_t = pltpu.async_copy(tab_hbm.at[srcv], rows, sem_t)
        cp_a = pltpu.async_copy(adt_hbm.at[dstv], adv, sem_a)
        cp_t.wait()
        cp_a.wait()

        def edge(e, _):
            s = rows[e, pl.ds(48, 16)] + adv[e, :]
            ex = jnp.exp(jnp.maximum(s, 0.2 * s))
            rows[e, pl.ds(0, 16)] = rows[e, pl.ds(0, 16)] * ex
            rows[e, pl.ds(16, 16)] = rows[e, pl.ds(16, 16)] * ex
            rows[e, pl.ds(32, 16)] = rows[e, pl.ds(32, 16)] * ex
            rows[e, pl.ds(48, 16)] = ex
            return _

        lax.fori_loop(0, CH, edge, None)
        pltpu.sync_copy(rows, acc.at[dstv], add=True)
        return _

    lax.fori_loop(0, CPW, chunk, None)
    plsc.subcore_barrier()
    _writeback(acc, out_hbm, cid, sid * RPS)



_BR = 512


def _tc1_body(x_ref, w1_ref, ap_ref, h1p_ref, ad1p_ref):
    h1 = jnp.dot(x_ref[...], w1_ref[...], preferred_element_type=jnp.float32)
    asd = jnp.dot(h1, ap_ref[...], preferred_element_type=jnp.float32)
    h1p_ref[...] = jnp.concatenate([h1, asd[:, 0:16]], axis=1)
    ad1p_ref[...] = asd[:, 16:32]


def _tc1(xp, W1, A_pack):
    grid = (NP + _BR - 1) // _BR
    return pl.pallas_call(
        _tc1_body,
        grid=(grid,),
        in_specs=[
            pl.BlockSpec((_BR, F_IN), lambda i: (i, 0)),
            pl.BlockSpec((F_IN, HC1), lambda i: (0, 0)),
            pl.BlockSpec((HC1, 32), lambda i: (0, 0)),
        ],
        out_specs=[
            pl.BlockSpec((_BR, D1), lambda i: (i, 0)),
            pl.BlockSpec((_BR, 16), lambda i: (i, 0)),
        ],
        out_shape=[
            jax.ShapeDtypeStruct((NP, D1), jnp.float32),
            jax.ShapeDtypeStruct((NP, 16), jnp.float32),
        ],
    )(xp, W1, A_pack)


def _tc2_body(acc_ref, b1_ref, w2_ref, a2_ref, h2p_ref, ad2p_ref):
    num = acc_ref[0, :, 0:HC1] + acc_ref[1, :, 0:HC1]
    den = acc_ref[0, :, HC1:HC1 + 8] + acc_ref[1, :, HC1:HC1 + 8]
    inv = 1.0 / (den + 1e-16)
    inv_full = jnp.reshape(
        jnp.broadcast_to(inv[:, :, None], (_BR, H1, C1)), (_BR, HC1))
    out1 = jnp.maximum(num * inv_full + b1_ref[...], 0.0)
    h2 = jnp.dot(out1, w2_ref[...], preferred_element_type=jnp.float32)
    asd = jnp.dot(h2, a2_ref[...], preferred_element_type=jnp.float32)
    z8 = jnp.zeros((_BR, 8), jnp.float32)
    as2 = jnp.broadcast_to(asd[:, 0:1], (_BR, 16))
    h2p_ref[...] = jnp.concatenate([h2, z8, as2], axis=1)
    ad2p_ref[...] = jnp.broadcast_to(asd[:, 1:2], (_BR, 16))


def _tc2(acc1, b1, W2, A2):
    grid = (NP + _BR - 1) // _BR
    return pl.pallas_call(
        _tc2_body,
        grid=(grid,),
        in_specs=[
            pl.BlockSpec((NC, _BR, D1), lambda i: (0, i, 0)),
            pl.BlockSpec((1, HC1), lambda i: (0, 0)),
            pl.BlockSpec((HC1, NCLS), lambda i: (0, 0)),
            pl.BlockSpec((NCLS, 2), lambda i: (0, 0)),
        ],
        out_specs=[
            pl.BlockSpec((_BR, D2), lambda i: (i, 0)),
            pl.BlockSpec((_BR, 16), lambda i: (i, 0)),
        ],
        out_shape=[
            jax.ShapeDtypeStruct((NP, D2), jnp.float32),
            jax.ShapeDtypeStruct((NP, 16), jnp.float32),
        ],
    )(acc1, b1, W2, A2)


_BR3 = 1000


def _tc3_body(acc_ref, b2_ref, out_ref):
    num = acc_ref[0, :, 0:NCLS] + acc_ref[1, :, 0:NCLS]
    den = acc_ref[0, :, 48:49] + acc_ref[1, :, 48:49]
    out_ref[...] = num / (den + 1e-16) + b2_ref[...]


def _tc3(acc2, b2):
    grid = N // _BR3
    return pl.pallas_call(
        _tc3_body,
        grid=(grid,),
        in_specs=[
            pl.BlockSpec((NC, _BR3, D2), lambda i: (0, i, 0)),
            pl.BlockSpec((1, NCLS), lambda i: (0, 0)),
        ],
        out_specs=pl.BlockSpec((_BR3, NCLS), lambda i: (i, 0)),
        out_shape=jax.ShapeDtypeStruct((N, NCLS), jnp.float32),
    )(acc2, b2)


def kernel(x, edge_index, W1, a1_src, a1_dst, b1, W2, a2_src, a2_dst, b2):
    xp = jnp.pad(x, ((0, NP - N), (0, 0)))

    loops = jnp.arange(N, dtype=edge_index.dtype)
    src = jnp.concatenate([edge_index[0], loops])
    dst = jnp.concatenate([edge_index[1], loops])
    pad = jnp.full((EP - ETOT,), N, dtype=edge_index.dtype)
    src = jnp.concatenate([src, pad]).astype(jnp.int32)
    dst = jnp.concatenate([dst, pad]).astype(jnp.int32)

    A_pack = jnp.zeros((HC1, 32), jnp.float32)
    for h in range(H1):
        A_pack = A_pack.at[h * C1:(h + 1) * C1, h].set(a1_src[h])
        A_pack = A_pack.at[h * C1:(h + 1) * C1, 16 + h].set(a1_dst[h])
    A2 = jnp.stack([a2_src[0], a2_dst[0]], axis=1)

    h1p, ad1p = _tc1(xp, W1, A_pack)
    acc1 = _sc_layer1(src, dst, h1p, ad1p)
    h2p, ad2p = _tc2(acc1, b1.reshape(1, HC1), W2, A2)
    acc2 = _sc_layer2(src, dst, h2p, ad2p)
    out = _tc3(acc2, b2.reshape(1, NCLS))
    return out

# --- scband reference (transcript-rebuilt; emitter-appended) ---
"""Pipeline reference for scband-gattwo-layer-2001454760656 (READ-ONLY COPY).

The authoritative reference and input builder live on the scoring server;
editing this copy changes nothing except your own understanding.
"""

import jax, jax.numpy as jnp
import numpy as np


def _gat_conv(x, edge_index, W, a_src, a_dst, b, heads, out_ch, concat):
    # Faithful PyG GATConv: linear -> per-head additive attention with
    # LeakyReLU(0.2) -> softmax over incoming edges (per dst) -> weighted
    # scatter-add aggregation. add_self_loops=True (PyG default).
    N = x.shape[0]
    loops = jnp.arange(N, dtype=edge_index.dtype)
    src = jnp.concatenate([edge_index[0], loops])
    dst = jnp.concatenate([edge_index[1], loops])
    h = (x @ W).reshape(N, heads, out_ch)          # [N, H, C]
    alpha_src = (h * a_src).sum(-1)                # [N, H]
    alpha_dst = (h * a_dst).sum(-1)                # [N, H]
    e = jax.nn.leaky_relu(alpha_src[src] + alpha_dst[dst], 0.2)  # [Etot, H]
    e_max = jax.ops.segment_max(e, dst, num_segments=N)
    ex = jnp.exp(e - e_max[dst])
    den = jax.ops.segment_sum(ex, dst, num_segments=N)
    alpha = ex / (den[dst] + 1e-16)                # softmax per dst node
    out = jax.ops.segment_sum(h[src] * alpha[:, :, None], dst, num_segments=N)
    if concat:
        out = out.reshape(N, heads * out_ch)
    else:
        out = out.mean(axis=1)
    return out + b


def setup_inputs(seed: int = 0) -> dict:
    key = jax.random.key(seed)
    ks = jax.random.split(key, 12)
    N, F_in, H, C_hid, n_cls = 10000, 128, 8, 16, 40
    E = 320000
    x = jax.random.normal(ks[0], (N, F_in), dtype=jnp.float32)
    edge_index = jax.random.randint(ks[1], (2, E), 0, N)
    s1 = 1.0 / np.sqrt(F_in)
    s2 = 1.0 / np.sqrt(H * C_hid)
    W1 = jax.random.normal(ks[2], (F_in, H * C_hid), jnp.float32) * s1
    a1_src = jax.random.normal(ks[3], (H, C_hid), jnp.float32) * s2
    a1_dst = jax.random.normal(ks[4], (H, C_hid), jnp.float32) * s2
    b1 = jnp.zeros((H * C_hid,), jnp.float32)
    W2 = jax.random.normal(ks[5], (H * C_hid, n_cls), jnp.float32) * s2
    a2_src = jax.random.normal(ks[6], (1, n_cls), jnp.float32) * 0.1
    a2_dst = jax.random.normal(ks[7], (1, n_cls), jnp.float32) * 0.1
    b2 = jnp.zeros((n_cls,), jnp.float32)
    return {"x": x, "edge_index": edge_index, "W1": W1, "a1_src": a1_src,
            "a1_dst": a1_dst, "b1": b1, "W2": W2, "a2_src": a2_src,
            "a2_dst": a2_dst, "b2": b2}


def reference(x, edge_index, W1, a1_src, a1_dst, b1, W2, a2_src, a2_dst, b2):
    # eval mode: F.dropout(p=0.6, training=False) is identity
    h = _gat_conv(x, edge_index, W1, a1_src, a1_dst, b1, heads=8, out_ch=16, concat=True)
    h = jax.nn.relu(h)
    out = _gat_conv(h, edge_index, W2, a2_src, a2_dst, b2, heads=1, out_ch=40, concat=True)
    return out

if __name__ == "__main__":
    import jax
    _d = setup_inputs()
    print(jax.jit(kernel)(*tuple(_d.values())))

</pallas_src>

<mosaic_0001>
#map = affine_map<(d0, d1) -> (0)>
#map1 = affine_map<(d0, d1) -> (0, 0)>
#map2 = affine_map<(d0, d1) -> (0, 0, 0)>
module attributes {stable_mosaic.version = 14 : i64} {
  func.func @_sc_layer2(%arg0: i32, %arg1: i32, %arg2: memref<331776xi32, #tpu.memory_space<hbm>>, %arg3: memref<331776xi32, #tpu.memory_space<hbm>>, %arg4: memref<10016x64xf32, #tpu.memory_space<hbm>>, %arg5: memref<10016x16xf32, #tpu.memory_space<hbm>>, %arg6: memref<2x10240x64xf32, #tpu.memory_space<hbm>>, %arg7: memref<128xi32, #tpu.memory_space<vmem>>, %arg8: memref<128xi32, #tpu.memory_space<vmem>>, %arg9: memref<128x64xf32, #tpu.memory_space<vmem>>, %arg10: memref<128x16xf32, #tpu.memory_space<vmem>>, %arg11: memref<8x64xf32, #tpu.memory_space<vmem>>, %arg12: memref<10240x64xf32, #tpu.memory_space<vmem_shared>>, %arg13: memref<!tpu.dma_semaphore, #tpu.memory_space<semaphore_mem>>, %arg14: memref<!tpu.dma_semaphore, #tpu.memory_space<semaphore_mem>>) attributes {dimension_semantics = [#tpu.dimension_semantics<core_parallel>, #tpu.dimension_semantics<subcore_parallel>], iteration_bounds = array<i64: 2, 16>, scalar_prefetch = 0 : i64, scratch_operands = 8 : i64, tpu.core_type = #tpu.core_type<sc_vector_subcore>, window_params = [{transform_indices = #map}, {transform_indices = #map}, {transform_indices = #map1}, {transform_indices = #map1}, {transform_indices = #map2}]} {
    %mul3A = arith.constant 2 : i32
    %mul3A_0 = arith.muli %arg1, %mul3A : i32
    %add3A = arith.addi %mul3A_0, %arg0 : i32
    %scan3A = arith.constant 0 : i32
    %scan3A_1 = arith.constant 32 : i32
    %scan3A_2 = arith.addi %scan3A, %scan3A_1 : i32
    %scan3A_3 = arith.constant 1 : i32
    scf.for %scan3A_27 = %scan3A to %scan3A_2 step %scan3A_3  : i32 {
      %broadcast_in_dim3A = arith.constant 0.000000e+00 : f32
      %broadcast_in_dim3A_28 = vector.broadcast %broadcast_in_dim3A : f32 to vector<16xf32>
      %jit3A = arith.constant 4 : i32
      %div3A = arith.divsi %scan3A_27, %jit3A : i32
      %sign3A = arith.constant 0 : i32
      %sign3A_29 = arith.cmpi sgt, %scan3A_27, %sign3A : i32
      %sign3A_30 = arith.extui %sign3A_29 : i1 to i32
      %sign3A_31 = arith.constant 0 : i32
      %sign3A_32 = arith.cmpi slt, %scan3A_27, %sign3A_31 : i32
      %sign3A_33 = arith.extui %sign3A_32 : i1 to i32
      %sign3A_34 = arith.subi %sign3A_30, %sign3A_33 : i32
      %sign3A_35 = arith.constant 0 : i32
      %sign3A_36 = arith.cmpi sgt, %jit3A, %sign3A_35 : i32
      %sign3A_37 = arith.extui %sign3A_36 : i1 to i32
      %sign3A_38 = arith.constant 0 : i32
      %sign3A_39 = arith.cmpi slt, %jit3A, %sign3A_38 : i32
      %sign3A_40 = arith.extui %sign3A_39 : i1 to i32
      %sign3A_41 = arith.subi %sign3A_37, %sign3A_40 : i32
      %ne3A = arith.cmpi ne, %sign3A_34, %sign3A_41 : i32
      %rem3A = arith.remsi %scan3A_27, %jit3A : i32
      %ne3A_42 = arith.constant 0 : i32
      %ne3A_43 = arith.cmpi ne, %rem3A, %ne3A_42 : i32
      %and3A = arith.andi %ne3A, %ne3A_43 : i1
      %sub3A = arith.constant 1 : i32
      %sub3A_44 = arith.subi %div3A, %sub3A : i32
      %select_n3A = arith.select %and3A, %sub3A_44, %div3A : i32
      %jit3A_45 = arith.constant 4 : i32
      %eq3A = arith.constant 0 : i32
      %eq3A_46 = arith.cmpi eq, %jit3A_45, %eq3A : i32
      %jit3A_47 = arith.constant 1 : i32
      %select_n3A_48 = arith.select %eq3A_46, %jit3A_47, %jit3A_45 : i32
      %rem3A_49 = arith.remsi %scan3A_27, %select_n3A_48 : i32
      %ne3A_50 = arith.constant 0 : i32
      %ne3A_51 = arith.cmpi ne, %rem3A_49, %ne3A_50 : i32
      %lt3A = arith.constant 0 : i32
      %lt3A_52 = arith.cmpi slt, %rem3A_49, %lt3A : i32
      %lt3A_53 = arith.constant 0 : i32
      %lt3A_54 = arith.cmpi slt, %select_n3A_48, %lt3A_53 : i32
      %ne3A_55 = arith.xori %lt3A_52, %lt3A_54 : i1
      %and3A_56 = arith.andi %ne3A_55, %ne3A_51 : i1
      %add3A_57 = arith.addi %rem3A_49, %select_n3A_48 : i32
      %select_n3A_58 = arith.select %and3A_56, %add3A_57, %rem3A_49 : i32
      %mul3A_59 = arith.constant 16 : i32
      %mul3A_60 = arith.muli %select_n3A_58, %mul3A_59 : i32
      %swap3A = arith.index_cast %select_n3A : i32 to index
      %swap3A_61 = arith.index_cast %mul3A_60 : i32 to index
      %swap3A_62 = tpu.vector_load %arg11[%swap3A, %swap3A_61] {strides = array<i32>} : memref<8x64xf32, #tpu.memory_space<vmem>>, vector<1x16xf32>,
      %swap3A_63 = vector.shape_cast %swap3A_62 : vector<1x16xf32> to vector<16xf32>
      %swap3A_64 = vector.shape_cast %broadcast_in_dim3A_28 : vector<16xf32> to vector<1x16xf32>
      tpu.vector_store %arg11[%swap3A, %swap3A_61], %swap3A_64 {strides = array<i32>} : memref<8x64xf32, #tpu.memory_space<vmem>>, vector<1x16xf32>,
    }
    %scan3A_4 = arith.constant 32 : i32
    %mul3A_5 = arith.constant 640 : i32
    %mul3A_6 = arith.muli %arg1, %mul3A_5 : i32
    %scan3A_7 = arith.constant 0 : i32
    %scan3A_8 = arith.constant 80 : i32
    %scan3A_9 = arith.addi %scan3A_7, %scan3A_8 : i32
    %scan3A_10 = arith.constant 1 : i32
    scf.for %scan3A_27 = %scan3A_7 to %scan3A_9 step %scan3A_10  : i32 {
      %mul3A_28 = arith.constant 8 : i32
      %mul3A_29 = arith.muli %scan3A_27, %mul3A_28 : i32
      %add3A_30 = arith.addi %mul3A_6, %mul3A_29 : i32
      "tpu.region"() ({
        %run_scoped3A = tpu.sem_alloc : memref<!tpu.dma_semaphore, #tpu.memory_space<semaphore_mem>>
        %dma_start3A = arith.constant 0 : i32
        %dma_start3A_31 = tpu.memref_slice %arg12[%add3A_30, %dma_start3A] : memref<10240x64xf32, #tpu.memory_space<vmem_shared>> -> memref<8x64xf32, #tpu.memory_space<vmem_shared>>
        %dma_start3A_32 = arith.constant 0 : i32
        %dma_start3A_33 = tpu.memref_slice %arg12[%add3A_30, %dma_start3A_32] : memref<10240x64xf32, #tpu.memory_space<vmem_shared>> -> memref<8x64xf32, #tpu.memory_space<vmem_shared>>
        tpu.enqueue_dma source(%arg11 : memref<8x64xf32, #tpu.memory_space<vmem>>) target(%dma_start3A_33 : memref<8x64xf32, #tpu.memory_space<vmem_shared>>) target_semaphore(%run_scoped3A : memref<!tpu.dma_semaphore, #tpu.memory_space<semaphore_mem>>)
        %dma_wait3A = arith.constant 0 : i32
        %dma_wait3A_34 = tpu.memref_slice %arg12[%add3A_30, %dma_wait3A] : memref<10240x64xf32, #tpu.memory_space<vmem_shared>> -> memref<8x64xf32, #tpu.memory_space<vmem_shared>>
        %dma_wait3A_35 = arith.constant 0 : i32
        %dma_wait3A_36 = tpu.memref_slice %arg12[%add3A_30, %dma_wait3A_35] : memref<10240x64xf32, #tpu.memory_space<vmem_shared>> -> memref<8x64xf32, #tpu.memory_space<vmem_shared>>
        tpu.wait_dma2 semaphore(%run_scoped3A : memref<!tpu.dma_semaphore, #tpu.memory_space<semaphore_mem>>) src(%arg11 : memref<8x64xf32, #tpu.memory_space<vmem>>) dst(%dma_wait3A_36 : memref<8x64xf32, #tpu.memory_space<vmem_shared>>)
        tpu.yield
      }) : () -> ()
    }
    %scan3A_11 = arith.constant 80 : i32
    %barrier3A = arith.constant 0 : index
    tpu.barrier barrier_id(%barrier3A)
    %mul3A_12 = arith.constant 10368 : i32
    %mul3A_13 = arith.muli %add3A, %mul3A_12 : i32
    %scan3A_14 = arith.constant 0 : i32
    %scan3A_15 = arith.constant 81 : i32
    %scan3A_16 = arith.addi %scan3A_14, %scan3A_15 : i32
    %scan3A_17 = arith.constant 1 : i32
    scf.for %scan3A_27 = %scan3A_14 to %scan3A_16 step %scan3A_17  : i32 {
      %mul3A_28 = arith.constant 128 : i32
      %mul3A_29 = arith.muli %scan3A_27, %mul3A_28 : i32
      %add3A_30 = arith.addi %mul3A_13, %mul3A_29 : i32
      "tpu.region"() ({
        %run_scoped3A = tpu.sem_alloc : memref<!tpu.dma_semaphore, #tpu.memory_space<semaphore_mem>>
        %dma_start3A_46 = tpu.memref_slice %arg2[%add3A_30] : memref<331776xi32, #tpu.memory_space<hbm>> -> memref<128xi32, #tpu.memory_space<hbm>>
        %dma_start3A_47 = tpu.memref_slice %arg2[%add3A_30] : memref<331776xi32, #tpu.memory_space<hbm>> -> memref<128xi32, #tpu.memory_space<hbm>>
        tpu.enqueue_dma source(%dma_start3A_47 : memref<128xi32, #tpu.memory_space<hbm>>) target(%arg7 : memref<128xi32, #tpu.memory_space<vmem>>) target_semaphore(%run_scoped3A : memref<!tpu.dma_semaphore, #tpu.memory_space<semaphore_mem>>)
        %dma_wait3A_48 = tpu.memref_slice %arg2[%add3A_30] : memref<331776xi32, #tpu.memory_space<hbm>> -> memref<128xi32, #tpu.memory_space<hbm>>
        %dma_wait3A_49 = tpu.memref_slice %arg2[%add3A_30] : memref<331776xi32, #tpu.memory_space<hbm>> -> memref<128xi32, #tpu.memory_space<hbm>>
        tpu.wait_dma2 semaphore(%run_scoped3A : memref<!tpu.dma_semaphore, #tpu.memory_space<semaphore_mem>>) src(%dma_wait3A_49 : memref<128xi32, #tpu.memory_space<hbm>>) dst(%arg7 : memref<128xi32, #tpu.memory_space<vmem>>)
        tpu.yield
      }) : () -> ()
      "tpu.region"() ({
        %run_scoped3A = tpu.sem_alloc : memref<!tpu.dma_semaphore, #tpu.memory_space<semaphore_mem>>
        %dma_start3A_46 = tpu.memref_slice %arg3[%add3A_30] : memref<331776xi32, #tpu.memory_space<hbm>> -> memref<128xi32, #tpu.memory_space<hbm>>
        %dma_start3A_47 = tpu.memref_slice %arg3[%add3A_30] : memref<331776xi32, #tpu.memory_space<hbm>> -> memref<128xi32, #tpu.memory_space<hbm>>
        tpu.enqueue_dma source(%dma_start3A_47 : memref<128xi32, #tpu.memory_space<hbm>>) target(%arg8 : memref<128xi32, #tpu.memory_space<vmem>>) target_semaphore(%run_scoped3A : memref<!tpu.dma_semaphore, #tpu.memory_space<semaphore_mem>>)
        %dma_wait3A_48 = tpu.memref_slice %arg3[%add3A_30] : memref<331776xi32, #tpu.memory_space<hbm>> -> memref<128xi32, #tpu.memory_space<hbm>>
        %dma_wait3A_49 = tpu.memref_slice %arg3[%add3A_30] : memref<331776xi32, #tpu.memory_space<hbm>> -> memref<128xi32, #tpu.memory_space<hbm>>
        tpu.wait_dma2 semaphore(%run_scoped3A : memref<!tpu.dma_semaphore, #tpu.memory_space<semaphore_mem>>) src(%dma_wait3A_49 : memref<128xi32, #tpu.memory_space<hbm>>) dst(%arg8 : memref<128xi32, #tpu.memory_space<vmem>>)
        tpu.yield
      }) : () -> ()
      %dma_start3A = arith.constant 0 : i32
      %dma_start3A_31 = arith.constant 0 : i32
      %dma_start3A_32 = tpu.memref_slice %arg4[%dma_start3A, %dma_start3A_31] : memref<10016x64xf32, #tpu.memory_space<hbm>> -> memref<10016x64xf32, #tpu.memory_space<hbm>>
      tpu.enqueue_indirect_dma source(%dma_start3A_32 : memref<10016x64xf32, #tpu.memory_space<hbm>>) target(%arg9 : memref<128x64xf32, #tpu.memory_space<vmem>>) offsets(%arg7 : memref<128xi32, #tpu.memory_space<vmem>>) semaphore(%arg13 : memref<!tpu.dma_semaphore, #tpu.memory_space<semaphore_mem>>)
      %dma_start3A_33 = arith.constant 0 : i32
      %dma_start3A_34 = arith.constant 0 : i32
      %dma_start3A_35 = tpu.memref_slice %arg5[%dma_start3A_33, %dma_start3A_34] : memref<10016x16xf32, #tpu.memory_space<hbm>> -> memref<10016x16xf32, #tpu.memory_space<hbm>>
      tpu.enqueue_indirect_dma source(%dma_start3A_35 : memref<10016x16xf32, #tpu.memory_space<hbm>>) target(%arg10 : memref<128x16xf32, #tpu.memory_space<vmem>>) offsets(%arg8 : memref<128xi32, #tpu.memory_space<vmem>>) semaphore(%arg14 : memref<!tpu.dma_semaphore, #tpu.memory_space<semaphore_mem>>)
      %dma_wait3A = arith.constant 0 : i32
      %dma_wait3A_36 = arith.constant 0 : i32
      %dma_wait3A_37 = tpu.memref_slice %arg4[%dma_wait3A, %dma_wait3A_36] : memref<10016x64xf32, #tpu.memory_space<hbm>> -> memref<10016x64xf32, #tpu.memory_space<hbm>>
      tpu.wait_indirect_dma semaphore(%arg13 : memref<!tpu.dma_semaphore, #tpu.memory_space<semaphore_mem>>) src(%dma_wait3A_37 : memref<10016x64xf32, #tpu.memory_space<hbm>>) dst(%arg9 : memref<128x64xf32, #tpu.memory_space<vmem>>)
      %dma_wait3A_38 = arith.constant 0 : i32
      %dma_wait3A_39 = arith.constant 0 : i32
      %dma_wait3A_40 = tpu.memref_slice %arg5[%dma_wait3A_38, %dma_wait3A_39] : memref<10016x16xf32, #tpu.memory_space<hbm>> -> memref<10016x16xf32, #tpu.memory_space<hbm>>
      tpu.wait_indirect_dma semaphore(%arg14 : memref<!tpu.dma_semaphore, #tpu.memory_space<semaphore_mem>>) src(%dma_wait3A_40 : memref<10016x16xf32, #tpu.memory_space<hbm>>) dst(%arg10 : memref<128x16xf32, #tpu.memory_space<vmem>>)
      %scan3A_41 = arith.constant 0 : i32
      %scan3A_42 = arith.constant 128 : i32
      %scan3A_43 = arith.addi %scan3A_41, %scan3A_42 : i32
      %scan3A_44 = arith.constant 1 : i32
      scf.for %scan3A_46 = %scan3A_41 to %scan3A_43 step %scan3A_44  : i32 {
        %get3A = arith.index_cast %scan3A_46 : i32 to index
        %get3A_47 = arith.constant 48 : index
        %get3A_48 = tpu.vector_load %arg9[%get3A, %get3A_47] {strides = array<i32>} : memref<128x64xf32, #tpu.memory_space<vmem>>, vector<1x16xf32>,
        %get3A_49 = vector.shape_cast %get3A_48 : vector<1x16xf32> to vector<16xf32>
        %get3A_50 = arith.index_cast %scan3A_46 : i32 to index
        %get3A_51 = arith.constant 0 : index
        %get3A_52 = tpu.vector_load %arg10[%get3A_50, %get3A_51] {strides = array<i32>} : memref<128x16xf32, #tpu.memory_space<vmem>>, vector<1x16xf32>,
        %get3A_53 = vector.shape_cast %get3A_52 : vector<1x16xf32> to vector<16xf32>
        %add3A_54 = arith.addf %get3A_49, %get3A_53 : vector<16xf32>
        %mul3A_55 = arith.constant 2.000000e-01 : f32
        %mul3A_56 = vector.broadcast %mul3A_55 : f32 to vector<16xf32>
        %mul3A_57 = arith.mulf %mul3A_56, %add3A_54 : vector<16xf32>
        %max3A = arith.maximumf %add3A_54, %mul3A_57 : vector<16xf32>
        %exp3A = math.exp %max3A : vector<16xf32>
        %get3A_58 = arith.index_cast %scan3A_46 : i32 to index
        %get3A_59 = arith.constant 0 : index
        %get3A_60 = tpu.vector_load %arg9[%get3A_58, %get3A_59] {strides = array<i32>} : memref<128x64xf32, #tpu.memory_space<vmem>>, vector<1x16xf32>,
        %get3A_61 = vector.shape_cast %get3A_60 : vector<1x16xf32> to vector<16xf32>
        %mul3A_62 = arith.mulf %get3A_61, %exp3A : vector<16xf32>
        %swap3A = arith.index_cast %scan3A_46 : i32 to index
        %swap3A_63 = arith.constant 0 : index
        %swap3A_64 = tpu.vector_load %arg9[%swap3A, %swap3A_63] {strides = array<i32>} : memref<128x64xf32, #tpu.memory_space<vmem>>, vector<1x16xf32>,
        %swap3A_65 = vector.shape_cast %swap3A_64 : vector<1x16xf32> to vector<16xf32>
        %swap3A_66 = vector.shape_cast %mul3A_62 : vector<16xf32> to vector<1x16xf32>
        tpu.vector_store %arg9[%swap3A, %swap3A_63], %swap3A_66 {strides = array<i32>} : memref<128x64xf32, #tpu.memory_space<vmem>>, vector<1x16xf32>,
        %get3A_67 = arith.index_cast %scan3A_46 : i32 to index
        %get3A_68 = arith.constant 16 : index
        %get3A_69 = tpu.vector_load %arg9[%get3A_67, %get3A_68] {strides = array<i32>} : memref<128x64xf32, #tpu.memory_space<vmem>>, vector<1x16xf32>,
        %get3A_70 = vector.shape_cast %get3A_69 : vector<1x16xf32> to vector<16xf32>
        %mul3A_71 = arith.mulf %get3A_70, %exp3A : vector<16xf32>
        %swap3A_72 = arith.index_cast %scan3A_46 : i32 to index
        %swap3A_73 = arith.constant 16 : index
        %swap3A_74 = tpu.vector_load %arg9[%swap3A_72, %swap3A_73] {strides = array<i32>} : memref<128x64xf32, #tpu.memory_space<vmem>>, vector<1x16xf32>,
        %swap3A_75 = vector.shape_cast %swap3A_74 : vector<1x16xf32> to vector<16xf32>
        %swap3A_76 = vector.shape_cast %mul3A_71 : vector<16xf32> to vector<1x16xf32>
        tpu.vector_store %arg9[%swap3A_72, %swap3A_73], %swap3A_76 {strides = array<i32>} : memref<128x64xf32, #tpu.memory_space<vmem>>, vector<1x16xf32>,
        %get3A_77 = arith.index_cast %scan3A_46 : i32 to index
        %get3A_78 = arith.constant 32 : index
        %get3A_79 = tpu.vector_load %arg9[%get3A_77, %get3A_78] {strides = array<i32>} : memref<128x64xf32, #tpu.memory_space<vmem>>, vector<1x16xf32>,
        %get3A_80 = vector.shape_cast %get3A_79 : vector<1x16xf32> to vector<16xf32>
        %mul3A_81 = arith.mulf %get3A_80, %exp3A : vector<16xf32>
        %swap3A_82 = arith.index_cast %scan3A_46 : i32 to index
        %swap3A_83 = arith.constant 32 : index
        %swap3A_84 = tpu.vector_load %arg9[%swap3A_82, %swap3A_83] {strides = array<i32>} : memref<128x64xf32, #tpu.memory_space<vmem>>, vector<1x16xf32>,
        %swap3A_85 = vector.shape_cast %swap3A_84 : vector<1x16xf32> to vector<16xf32>
        %swap3A_86 = vector.shape_cast %mul3A_81 : vector<16xf32> to vector<1x16xf32>
        tpu.vector_store %arg9[%swap3A_82, %swap3A_83], %swap3A_86 {strides = array<i32>} : memref<128x64xf32, #tpu.memory_space<vmem>>, vector<1x16xf32>,
        %swap3A_87 = arith.index_cast %scan3A_46 : i32 to index
        %swap3A_88 = arith.constant 48 : index
        %swap3A_89 = tpu.vector_load %arg9[%swap3A_87, %swap3A_88] {strides = array<i32>} : memref<128x64xf32, #tpu.memory_space<vmem>>, vector<1x16xf32>,
        %swap3A_90 = vector.shape_cast %swap3A_89 : vector<1x16xf32> to vector<16xf32>
        %swap3A_91 = vector.shape_cast %exp3A : vector<16xf32> to vector<1x16xf32>
        tpu.vector_store %arg9[%swap3A_87, %swap3A_88], %swap3A_91 {strides = array<i32>} : memref<128x64xf32, #tpu.memory_space<vmem>>, vector<1x16xf32>,
      }
      %scan3A_45 = arith.constant 128 : i32
      "tpu.region"() ({
        %run_scoped3A = tpu.sem_alloc : memref<!tpu.dma_semaphore, #tpu.memory_space<semaphore_mem>>
        %dma_start3A_46 = arith.constant 0 : i32
        %dma_start3A_47 = arith.constant 0 : i32
        %dma_start3A_48 = tpu.memref_slice %arg12[%dma_start3A_46, %dma_start3A_47] : memref<10240x64xf32, #tpu.memory_space<vmem_shared>> -> memref<10240x64xf32, #tpu.memory_space<vmem_shared>>
        tpu.enqueue_indirect_dma source(%arg9 : memref<128x64xf32, #tpu.memory_space<vmem>>) target(%dma_start3A_48 : memref<10240x64xf32, #tpu.memory_space<vmem_shared>>) offsets(%arg8 : memref<128xi32, #tpu.memory_space<vmem>>) semaphore(%run_scoped3A : memref<!tpu.dma_semaphore, #tpu.memory_space<semaphore_mem>>) {add = true}
        %dma_wait3A_49 = arith.constant 0 : i32
        %dma_wait3A_50 = arith.constant 0 : i32
        %dma_wait3A_51 = tpu.memref_slice %arg12[%dma_wait3A_49, %dma_wait3A_50] : memref<10240x64xf32, #tpu.memory_space<vmem_shared>> -> memref<10240x64xf32, #tpu.memory_space<vmem_shared>>
        tpu.wait_indirect_dma semaphore(%run_scoped3A : memref<!tpu.dma_semaphore, #tpu.memory_space<semaphore_mem>>) src(%arg9 : memref<128x64xf32, #tpu.memory_space<vmem>>) dst(%dma_wait3A_51 : memref<10240x64xf32, #tpu.memory_space<vmem_shared>>)
        tpu.yield
      }) : () -> ()
    }
    %scan3A_18 = arith.constant 81 : i32
    %barrier3A_19 = arith.constant 0 : index
    tpu.barrier barrier_id(%barrier3A_19)
    %mul3A_20 = arith.constant 640 : i32
    %mul3A_21 = arith.muli %arg1, %mul3A_20 : i32
    %scan3A_22 = arith.constant 0 : i32
    %scan3A_23 = arith.constant 80 : i32
    %scan3A_24 = arith.addi %scan3A_22, %scan3A_23 : i32
    %scan3A_25 = arith.constant 1 : i32
    scf.for %scan3A_27 = %scan3A_22 to %scan3A_24 step %scan3A_25  : i32 {
      %mul3A_28 = arith.constant 8 : i32
      %mul3A_29 = arith.muli %scan3A_27, %mul3A_28 : i32
      %add3A_30 = arith.addi %mul3A_21, %mul3A_29 : i32
      %mul3A_31 = arith.constant 8 : i32
      %mul3A_32 = arith.muli %scan3A_27, %mul3A_31 : i32
      %add3A_33 = arith.addi %mul3A_21, %mul3A_32 : i32
      "tpu.region"() ({
        %run_scoped3A = tpu.sem_alloc : memref<!tpu.dma_semaphore, #tpu.memory_space<semaphore_mem>>
        %dma_start3A = arith.constant 0 : i32
        %dma_start3A_34 = tpu.memref_slice %arg6[%arg0, %add3A_33, %dma_start3A] : memref<2x10240x64xf32, #tpu.memory_space<hbm>> -> memref<1x8x64xf32, #tpu.memory_space<hbm>>
        %dma_start3A_35 = tpu.memref_squeeze %dma_start3A_34 : memref<1x8x64xf32, #tpu.memory_space<hbm>> -> memref<8x64xf32, #tpu.memory_space<hbm>>
        %dma_start3A_36 = arith.constant 0 : i32
        %dma_start3A_37 = tpu.memref_slice %arg12[%add3A_30, %dma_start3A_36] : memref<10240x64xf32, #tpu.memory_space<vmem_shared>> -> memref<8x64xf32, #tpu.memory_space<vmem_shared>>
        tpu.enqueue_dma source(%dma_start3A_37 : memref<8x64xf32, #tpu.memory_space<vmem_shared>>) target(%dma_start3A_35 : memref<8x64xf32, #tpu.memory_space<hbm>>) target_semaphore(%run_scoped3A : memref<!tpu.dma_semaphore, #tpu.memory_space<semaphore_mem>>)
        %dma_wait3A = arith.constant 0 : i32
        %dma_wait3A_38 = tpu.memref_slice %arg6[%arg0, %add3A_33, %dma_wait3A] : memref<2x10240x64xf32, #tpu.memory_space<hbm>> -> memref<1x8x64xf32, #tpu.memory_space<hbm>>
        %dma_wait3A_39 = tpu.memref_squeeze %dma_wait3A_38 : memref<1x8x64xf32, #tpu.memory_space<hbm>> -> memref<8x64xf32, #tpu.memory_space<hbm>>
        %dma_wait3A_40 = arith.constant 0 : i32
        %dma_wait3A_41 = tpu.memref_slice %arg12[%add3A_30, %dma_wait3A_40] : memref<10240x64xf32, #tpu.memory_space<vmem_shared>> -> memref<8x64xf32, #tpu.memory_space<vmem_shared>>
        tpu.wait_dma2 semaphore(%run_scoped3A : memref<!tpu.dma_semaphore, #tpu.memory_space<semaphore_mem>>) src(%dma_wait3A_41 : memref<8x64xf32, #tpu.memory_space<vmem_shared>>) dst(%dma_wait3A_39 : memref<8x64xf32, #tpu.memory_space<hbm>>)
        tpu.yield
      }) : () -> ()
    }
    %scan3A_26 = arith.constant 80 : i32
    return
  }
}

#map = affine_map<(d0, d1) -> (0)>
#map1 = affine_map<(d0, d1) -> (0, 0)>
#map2 = affine_map<(d0, d1) -> (0, 0, 0)>
module attributes {stable_mosaic.version = 14 : i64} {
  func.func @_sc_layer1(%arg0: i32, %arg1: i32, %arg2: memref<331776xi32, #tpu.memory_space<hbm>>, %arg3: memref<331776xi32, #tpu.memory_space<hbm>>, %arg4: memref<10016x144xf32, #tpu.memory_space<hbm>>, %arg5: memref<10016x16xf32, #tpu.memory_space<hbm>>, %arg6: memref<2x10240x144xf32, #tpu.memory_space<hbm>>, %arg7: memref<128xi32, #tpu.memory_space<vmem>>, %arg8: memref<128xi32, #tpu.memory_space<vmem>>, %arg9: memref<128x144xf32, #tpu.memory_space<vmem>>, %arg10: memref<128x16xf32, #tpu.memory_space<vmem>>, %arg11: memref<8x144xf32, #tpu.memory_space<vmem>>, %arg12: memref<10240x144xf32, #tpu.memory_space<vmem_shared>>, %arg13: memref<!tpu.dma_semaphore, #tpu.memory_space<semaphore_mem>>, %arg14: memref<!tpu.dma_semaphore, #tpu.memory_space<semaphore_mem>>) attributes {dimension_semantics = [#tpu.dimension_semantics<core_parallel>, #tpu.dimension_semantics<subcore_parallel>], iteration_bounds = array<i64: 2, 16>, scalar_prefetch = 0 : i64, scratch_operands = 8 : i64, tpu.core_type = #tpu.core_type<sc_vector_subcore>, window_params = [{transform_indices = #map}, {transform_indices = #map}, {transform_indices = #map1}, {transform_indices = #map1}, {transform_indices = #map2}]} {
    %mul3A = arith.constant 2 : i32
    %mul3A_0 = arith.muli %arg1, %mul3A : i32
    %add3A = arith.addi %mul3A_0, %arg0 : i32
    %scan3A = arith.constant 0 : i32
    %scan3A_1 = arith.constant 72 : i32
    %scan3A_2 = arith.addi %scan3A, %scan3A_1 : i32
    %scan3A_3 = arith.constant 1 : i32
    scf.for %scan3A_27 = %scan3A to %scan3A_2 step %scan3A_3  : i32 {
      %broadcast_in_dim3A = arith.constant 0.000000e+00 : f32
      %broadcast_in_dim3A_28 = vector.broadcast %broadcast_in_dim3A : f32 to vector<16xf32>
      %jit3A = arith.constant 9 : i32
      %div3A = arith.divsi %scan3A_27, %jit3A : i32
      %sign3A = arith.constant 0 : i32
      %sign3A_29 = arith.cmpi sgt, %scan3A_27, %sign3A : i32
      %sign3A_30 = arith.extui %sign3A_29 : i1 to i32
      %sign3A_31 = arith.constant 0 : i32
      %sign3A_32 = arith.cmpi slt, %scan3A_27, %sign3A_31 : i32
      %sign3A_33 = arith.extui %sign3A_32 : i1 to i32
      %sign3A_34 = arith.subi %sign3A_30, %sign3A_33 : i32
      %sign3A_35 = arith.constant 0 : i32
      %sign3A_36 = arith.cmpi sgt, %jit3A, %sign3A_35 : i32
      %sign3A_37 = arith.extui %sign3A_36 : i1 to i32
      %sign3A_38 = arith.constant 0 : i32
      %sign3A_39 = arith.cmpi slt, %jit3A, %sign3A_38 : i32
      %sign3A_40 = arith.extui %sign3A_39 : i1 to i32
      %sign3A_41 = arith.subi %sign3A_37, %sign3A_40 : i32
      %ne3A = arith.cmpi ne, %sign3A_34, %sign3A_41 : i32
      %rem3A = arith.remsi %scan3A_27, %jit3A : i32
      %ne3A_42 = arith.constant 0 : i32
      %ne3A_43 = arith.cmpi ne, %rem3A, %ne3A_42 : i32
      %and3A = arith.andi %ne3A, %ne3A_43 : i1
      %sub3A = arith.constant 1 : i32
      %sub3A_44 = arith.subi %div3A, %sub3A : i32
      %select_n3A = arith.select %and3A, %sub3A_44, %div3A : i32
      %jit3A_45 = arith.constant 9 : i32
      %eq3A = arith.constant 0 : i32
      %eq3A_46 = arith.cmpi eq, %jit3A_45, %eq3A : i32
      %jit3A_47 = arith.constant 1 : i32
      %select_n3A_48 = arith.select %eq3A_46, %jit3A_47, %jit3A_45 : i32
      %rem3A_49 = arith.remsi %scan3A_27, %select_n3A_48 : i32
      %ne3A_50 = arith.constant 0 : i32
      %ne3A_51 = arith.cmpi ne, %rem3A_49, %ne3A_50 : i32
      %lt3A = arith.constant 0 : i32
      %lt3A_52 = arith.cmpi slt, %rem3A_49, %lt3A : i32
      %lt3A_53 = arith.constant 0 : i32
      %lt3A_54 = arith.cmpi slt, %select_n3A_48, %lt3A_53 : i32
      %ne3A_55 = arith.xori %lt3A_52, %lt3A_54 : i1
      %and3A_56 = arith.andi %ne3A_55, %ne3A_51 : i1
      %add3A_57 = arith.addi %rem3A_49, %select_n3A_48 : i32
      %select_n3A_58 = arith.select %and3A_56, %add3A_57, %rem3A_49 : i32
      %mul3A_59 = arith.constant 16 : i32
      %mul3A_60 = arith.muli %select_n3A_58, %mul3A_59 : i32
      %swap3A = arith.index_cast %select_n3A : i32 to index
      %swap3A_61 = arith.index_cast %mul3A_60 : i32 to index
      %swap3A_62 = tpu.vector_load %arg11[%swap3A, %swap3A_61] {strides = array<i32>} : memref<8x144xf32, #tpu.memory_space<vmem>>, vector<1x16xf32>,
      %swap3A_63 = vector.shape_cast %swap3A_62 : vector<1x16xf32> to vector<16xf32>
      %swap3A_64 = vector.shape_cast %broadcast_in_dim3A_28 : vector<16xf32> to vector<1x16xf32>
      tpu.vector_store %arg11[%swap3A, %swap3A_61], %swap3A_64 {strides = array<i32>} : memref<8x144xf32, #tpu.memory_space<vmem>>, vector<1x16xf32>,
    }
    %scan3A_4 = arith.constant 72 : i32
    %mul3A_5 = arith.constant 640 : i32
    %mul3A_6 = arith.muli %arg1, %mul3A_5 : i32
    %scan3A_7 = arith.constant 0 : i32
    %scan3A_8 = arith.constant 80 : i32
    %scan3A_9 = arith.addi %scan3A_7, %scan3A_8 : i32
    %scan3A_10 = arith.constant 1 : i32
    scf.for %scan3A_27 = %scan3A_7 to %scan3A_9 step %scan3A_10  : i32 {
      %mul3A_28 = arith.constant 8 : i32
      %mul3A_29 = arith.muli %scan3A_27, %mul3A_28 : i32
      %add3A_30 = arith.addi %mul3A_6, %mul3A_29 : i32
      "tpu.region"() ({
        %run_scoped3A = tpu.sem_alloc : memref<!tpu.dma_semaphore, #tpu.memory_space<semaphore_mem>>
        %dma_start3A = arith.constant 0 : i32
        %dma_start3A_31 = tpu.memref_slice %arg12[%add3A_30, %dma_start3A] : memref<10240x144xf32, #tpu.memory_space<vmem_shared>> -> memref<8x144xf32, #tpu.memory_space<vmem_shared>>
        %dma_start3A_32 = arith.constant 0 : i32
        %dma_start3A_33 = tpu.memref_slice %arg12[%add3A_30, %dma_start3A_32] : memref<10240x144xf32, #tpu.memory_space<vmem_shared>> -> memref<8x144xf32, #tpu.memory_space<vmem_shared>>
        tpu.enqueue_dma source(%arg11 : memref<8x144xf32, #tpu.memory_space<vmem>>) target(%dma_start3A_33 : memref<8x144xf32, #tpu.memory_space<vmem_shared>>) target_semaphore(%run_scoped3A : memref<!tpu.dma_semaphore, #tpu.memory_space<semaphore_mem>>)
        %dma_wait3A = arith.constant 0 : i32
        %dma_wait3A_34 = tpu.memref_slice %arg12[%add3A_30, %dma_wait3A] : memref<10240x144xf32, #tpu.memory_space<vmem_shared>> -> memref<8x144xf32, #tpu.memory_space<vmem_shared>>
        %dma_wait3A_35 = arith.constant 0 : i32
        %dma_wait3A_36 = tpu.memref_slice %arg12[%add3A_30, %dma_wait3A_35] : memref<10240x144xf32, #tpu.memory_space<vmem_shared>> -> memref<8x144xf32, #tpu.memory_space<vmem_shared>>
        tpu.wait_dma2 semaphore(%run_scoped3A : memref<!tpu.dma_semaphore, #tpu.memory_space<semaphore_mem>>) src(%arg11 : memref<8x144xf32, #tpu.memory_space<vmem>>) dst(%dma_wait3A_36 : memref<8x144xf32, #tpu.memory_space<vmem_shared>>)
        tpu.yield
      }) : () -> ()
    }
    %scan3A_11 = arith.constant 80 : i32
    %barrier3A = arith.constant 0 : index
    tpu.barrier barrier_id(%barrier3A)
    %mul3A_12 = arith.constant 10368 : i32
    %mul3A_13 = arith.muli %add3A, %mul3A_12 : i32
    %scan3A_14 = arith.constant 0 : i32
    %scan3A_15 = arith.constant 81 : i32
    %scan3A_16 = arith.addi %scan3A_14, %scan3A_15 : i32
    %scan3A_17 = arith.constant 1 : i32
    scf.for %scan3A_27 = %scan3A_14 to %scan3A_16 step %scan3A_17  : i32 {
      %mul3A_28 = arith.constant 128 : i32
      %mul3A_29 = arith.muli %scan3A_27, %mul3A_28 : i32
      %add3A_30 = arith.addi %mul3A_13, %mul3A_29 : i32
      "tpu.region"() ({
        %run_scoped3A = tpu.sem_alloc : memref<!tpu.dma_semaphore, #tpu.memory_space<semaphore_mem>>
        %dma_start3A_46 = tpu.memref_slice %arg2[%add3A_30] : memref<331776xi32, #tpu.memory_space<hbm>> -> memref<128xi32, #tpu.memory_space<hbm>>
        %dma_start3A_47 = tpu.memref_slice %arg2[%add3A_30] : memref<331776xi32, #tpu.memory_space<hbm>> -> memref<128xi32, #tpu.memory_space<hbm>>
        tpu.enqueue_dma source(%dma_start3A_47 : memref<128xi32, #tpu.memory_space<hbm>>) target(%arg7 : memref<128xi32, #tpu.memory_space<vmem>>) target_semaphore(%run_scoped3A : memref<!tpu.dma_semaphore, #tpu.memory_space<semaphore_mem>>)
        %dma_wait3A_48 = tpu.memref_slice %arg2[%add3A_30] : memref<331776xi32, #tpu.memory_space<hbm>> -> memref<128xi32, #tpu.memory_space<hbm>>
        %dma_wait3A_49 = tpu.memref_slice %arg2[%add3A_30] : memref<331776xi32, #tpu.memory_space<hbm>> -> memref<128xi32, #tpu.memory_space<hbm>>
        tpu.wait_dma2 semaphore(%run_scoped3A : memref<!tpu.dma_semaphore, #tpu.memory_space<semaphore_mem>>) src(%dma_wait3A_49 : memref<128xi32, #tpu.memory_space<hbm>>) dst(%arg7 : memref<128xi32, #tpu.memory_space<vmem>>)
        tpu.yield
      }) : () -> ()
      "tpu.region"() ({
        %run_scoped3A = tpu.sem_alloc : memref<!tpu.dma_semaphore, #tpu.memory_space<semaphore_mem>>
        %dma_start3A_46 = tpu.memref_slice %arg3[%add3A_30] : memref<331776xi32, #tpu.memory_space<hbm>> -> memref<128xi32, #tpu.memory_space<hbm>>
        %dma_start3A_47 = tpu.memref_slice %arg3[%add3A_30] : memref<331776xi32, #tpu.memory_space<hbm>> -> memref<128xi32, #tpu.memory_space<hbm>>
        tpu.enqueue_dma source(%dma_start3A_47 : memref<128xi32, #tpu.memory_space<hbm>>) target(%arg8 : memref<128xi32, #tpu.memory_space<vmem>>) target_semaphore(%run_scoped3A : memref<!tpu.dma_semaphore, #tpu.memory_space<semaphore_mem>>)
        %dma_wait3A_48 = tpu.memref_slice %arg3[%add3A_30] : memref<331776xi32, #tpu.memory_space<hbm>> -> memref<128xi32, #tpu.memory_space<hbm>>
        %dma_wait3A_49 = tpu.memref_slice %arg3[%add3A_30] : memref<331776xi32, #tpu.memory_space<hbm>> -> memref<128xi32, #tpu.memory_space<hbm>>
        tpu.wait_dma2 semaphore(%run_scoped3A : memref<!tpu.dma_semaphore, #tpu.memory_space<semaphore_mem>>) src(%dma_wait3A_49 : memref<128xi32, #tpu.memory_space<hbm>>) dst(%arg8 : memref<128xi32, #tpu.memory_space<vmem>>)
        tpu.yield
      }) : () -> ()
      %dma_start3A = arith.constant 0 : i32
      %dma_start3A_31 = arith.constant 0 : i32
      %dma_start3A_32 = tpu.memref_slice %arg4[%dma_start3A, %dma_start3A_31] : memref<10016x144xf32, #tpu.memory_space<hbm>> -> memref<10016x144xf32, #tpu.memory_space<hbm>>
      tpu.enqueue_indirect_dma source(%dma_start3A_32 : memref<10016x144xf32, #tpu.memory_space<hbm>>) target(%arg9 : memref<128x144xf32, #tpu.memory_space<vmem>>) offsets(%arg7 : memref<128xi32, #tpu.memory_space<vmem>>) semaphore(%arg13 : memref<!tpu.dma_semaphore, #tpu.memory_space<semaphore_mem>>)
      %dma_start3A_33 = arith.constant 0 : i32
      %dma_start3A_34 = arith.constant 0 : i32
      %dma_start3A_35 = tpu.memref_slice %arg5[%dma_start3A_33, %dma_start3A_34] : memref<10016x16xf32, #tpu.memory_space<hbm>> -> memref<10016x16xf32, #tpu.memory_space<hbm>>
      tpu.enqueue_indirect_dma source(%dma_start3A_35 : memref<10016x16xf32, #tpu.memory_space<hbm>>) target(%arg10 : memref<128x16xf32, #tpu.memory_space<vmem>>) offsets(%arg8 : memref<128xi32, #tpu.memory_space<vmem>>) semaphore(%arg14 : memref<!tpu.dma_semaphore, #tpu.memory_space<semaphore_mem>>)
      %dma_wait3A = arith.constant 0 : i32
      %dma_wait3A_36 = arith.constant 0 : i32
      %dma_wait3A_37 = tpu.memref_slice %arg4[%dma_wait3A, %dma_wait3A_36] : memref<10016x144xf32, #tpu.memory_space<hbm>> -> memref<10016x144xf32, #tpu.memory_space<hbm>>
      tpu.wait_indirect_dma semaphore(%arg13 : memref<!tpu.dma_semaphore, #tpu.memory_space<semaphore_mem>>) src(%dma_wait3A_37 : memref<10016x144xf32, #tpu.memory_space<hbm>>) dst(%arg9 : memref<128x144xf32, #tpu.memory_space<vmem>>)
      %dma_wait3A_38 = arith.constant 0 : i32
      %dma_wait3A_39 = arith.constant 0 : i32
      %dma_wait3A_40 = tpu.memref_slice %arg5[%dma_wait3A_38, %dma_wait3A_39] : memref<10016x16xf32, #tpu.memory_space<hbm>> -> memref<10016x16xf32, #tpu.memory_space<hbm>>
      tpu.wait_indirect_dma semaphore(%arg14 : memref<!tpu.dma_semaphore, #tpu.memory_space<semaphore_mem>>) src(%dma_wait3A_40 : memref<10016x16xf32, #tpu.memory_space<hbm>>) dst(%arg10 : memref<128x16xf32, #tpu.memory_space<vmem>>)
      %scan3A_41 = arith.constant 0 : i32
      %scan3A_42 = arith.constant 128 : i32
      %scan3A_43 = arith.addi %scan3A_41, %scan3A_42 : i32
      %scan3A_44 = arith.constant 1 : i32
      scf.for %scan3A_46 = %scan3A_41 to %scan3A_43 step %scan3A_44  : i32 {
        %get3A = arith.index_cast %scan3A_46 : i32 to index
        %get3A_47 = arith.constant 128 : index
        %get3A_48 = tpu.vector_load %arg9[%get3A, %get3A_47] {strides = array<i32>} : memref<128x144xf32, #tpu.memory_space<vmem>>, vector<1x16xf32>,
        %get3A_49 = vector.shape_cast %get3A_48 : vector<1x16xf32> to vector<16xf32>
        %get3A_50 = arith.index_cast %scan3A_46 : i32 to index
        %get3A_51 = arith.constant 0 : index
        %get3A_52 = tpu.vector_load %arg10[%get3A_50, %get3A_51] {strides = array<i32>} : memref<128x16xf32, #tpu.memory_space<vmem>>, vector<1x16xf32>,
        %get3A_53 = vector.shape_cast %get3A_52 : vector<1x16xf32> to vector<16xf32>
        %add3A_54 = arith.addf %get3A_49, %get3A_53 : vector<16xf32>
        %mul3A_55 = arith.constant 2.000000e-01 : f32
        %mul3A_56 = vector.broadcast %mul3A_55 : f32 to vector<16xf32>
        %mul3A_57 = arith.mulf %mul3A_56, %add3A_54 : vector<16xf32>
        %max3A = arith.maximumf %add3A_54, %mul3A_57 : vector<16xf32>
        %exp3A = math.exp %max3A : vector<16xf32>
        %swap3A = arith.index_cast %scan3A_46 : i32 to index
        %swap3A_58 = arith.constant 128 : index
        %swap3A_59 = tpu.vector_load %arg9[%swap3A, %swap3A_58] {strides = array<i32>} : memref<128x144xf32, #tpu.memory_space<vmem>>, vector<1x16xf32>,
        %swap3A_60 = vector.shape_cast %swap3A_59 : vector<1x16xf32> to vector<16xf32>
        %swap3A_61 = vector.shape_cast %exp3A : vector<16xf32> to vector<1x16xf32>
        tpu.vector_store %arg9[%swap3A, %swap3A_58], %swap3A_61 {strides = array<i32>} : memref<128x144xf32, #tpu.memory_space<vmem>>, vector<1x16xf32>,
        %slice3A = vector.extract_strided_slice %exp3A {offsets = [0], sizes = [1], strides = [1]} : vector<16xf32> to vector<1xf32>
        %squeeze3A = vector.extract %slice3A[0] : f32 from vector<1xf32>
        %get3A_62 = arith.index_cast %scan3A_46 : i32 to index
        %get3A_63 = arith.constant 0 : index
        %get3A_64 = tpu.vector_load %arg9[%get3A_62, %get3A_63] {strides = array<i32>} : memref<128x144xf32, #tpu.memory_space<vmem>>, vector<1x16xf32>,
        %get3A_65 = vector.shape_cast %get3A_64 : vector<1x16xf32> to vector<16xf32>
        %mul3A_66 = vector.broadcast %squeeze3A : f32 to vector<16xf32>
        %mul3A_67 = arith.mulf %get3A_65, %mul3A_66 : vector<16xf32>
        %swap3A_68 = arith.index_cast %scan3A_46 : i32 to index
        %swap3A_69 = arith.constant 0 : index
        %swap3A_70 = tpu.vector_load %arg9[%swap3A_68, %swap3A_69] {strides = array<i32>} : memref<128x144xf32, #tpu.memory_space<vmem>>, vector<1x16xf32>,
        %swap3A_71 = vector.shape_cast %swap3A_70 : vector<1x16xf32> to vector<16xf32>
        %swap3A_72 = vector.shape_cast %mul3A_67 : vector<16xf32> to vector<1x16xf32>
        tpu.vector_store %arg9[%swap3A_68, %swap3A_69], %swap3A_72 {strides = array<i32>} : memref<128x144xf32, #tpu.memory_space<vmem>>, vector<1x16xf32>,
        %slice3A_73 = vector.extract_strided_slice %exp3A {offsets = [1], sizes = [1], strides = [1]} : vector<16xf32> to vector<1xf32>
        %squeeze3A_74 = vector.extract %slice3A_73[0] : f32 from vector<1xf32>
        %get3A_75 = arith.index_cast %scan3A_46 : i32 to index
        %get3A_76 = arith.constant 16 : index
        %get3A_77 = tpu.vector_load %arg9[%get3A_75, %get3A_76] {strides = array<i32>} : memref<128x144xf32, #tpu.memory_space<vmem>>, vector<1x16xf32>,
        %get3A_78 = vector.shape_cast %get3A_77 : vector<1x16xf32> to vector<16xf32>
        %mul3A_79 = vector.broadcast %squeeze3A_74 : f32 to vector<16xf32>
        %mul3A_80 = arith.mulf %get3A_78, %mul3A_79 : vector<16xf32>
        %swap3A_81 = arith.index_cast %scan3A_46 : i32 to index
        %swap3A_82 = arith.constant 16 : index
        %swap3A_83 = tpu.vector_load %arg9[%swap3A_81, %swap3A_82] {strides = array<i32>} : memref<128x144xf32, #tpu.memory_space<vmem>>, vector<1x16xf32>,
        %swap3A_84 = vector.shape_cast %swap3A_83 : vector<1x16xf32> to vector<16xf32>
        %swap3A_85 = vector.shape_cast %mul3A_80 : vector<16xf32> to vector<1x16xf32>
        tpu.vector_store %arg9[%swap3A_81, %swap3A_82], %swap3A_85 {strides = array<i32>} : memref<128x144xf32, #tpu.memory_space<vmem>>, vector<1x16xf32>,
        %slice3A_86 = vector.extract_strided_slice %exp3A {offsets = [2], sizes = [1], strides = [1]} : vector<16xf32> to vector<1xf32>
        %squeeze3A_87 = vector.extract %slice3A_86[0] : f32 from vector<1xf32>
        %get3A_88 = arith.index_cast %scan3A_46 : i32 to index
        %get3A_89 = arith.constant 32 : index
        %get3A_90 = tpu.vector_load %arg9[%get3A_88, %get3A_89] {strides = array<i32>} : memref<128x144xf32, #tpu.memory_space<vmem>>, vector<1x16xf32>,
        %get3A_91 = vector.shape_cast %get3A_90 : vector<1x16xf32> to vector<16xf32>
        %mul3A_92 = vector.broadcast %squeeze3A_87 : f32 to vector<16xf32>
        %mul3A_93 = arith.mulf %get3A_91, %mul3A_92 : vector<16xf32>
        %swap3A_94 = arith.index_cast %scan3A_46 : i32 to index
        %swap3A_95 = arith.constant 32 : index
        %swap3A_96 = tpu.vector_load %arg9[%swap3A_94, %swap3A_95] {strides = array<i32>} : memref<128x144xf32, #tpu.memory_space<vmem>>, vector<1x16xf32>,
        %swap3A_97 = vector.shape_cast %swap3A_96 : vector<1x16xf32> to vector<16xf32>
        %swap3A_98 = vector.shape_cast %mul3A_93 : vector<16xf32> to vector<1x16xf32>
        tpu.vector_store %arg9[%swap3A_94, %swap3A_95], %swap3A_98 {strides = array<i32>} : memref<128x144xf32, #tpu.memory_space<vmem>>, vector<1x16xf32>,
        %slice3A_99 = vector.extract_strided_slice %exp3A {offsets = [3], sizes = [1], strides = [1]} : vector<16xf32> to vector<1xf32>
        %squeeze3A_100 = vector.extract %slice3A_99[0] : f32 from vector<1xf32>
        %get3A_101 = arith.index_cast %scan3A_46 : i32 to index
        %get3A_102 = arith.constant 48 : index
        %get3A_103 = tpu.vector_load %arg9[%get3A_101, %get3A_102] {strides = array<i32>} : memref<128x144xf32, #tpu.memory_space<vmem>>, vector<1x16xf32>,
        %get3A_104 = vector.shape_cast %get3A_103 : vector<1x16xf32> to vector<16xf32>
        %mul3A_105 = vector.broadcast %squeeze3A_100 : f32 to vector<16xf32>
        %mul3A_106 = arith.mulf %get3A_104, %mul3A_105 : vector<16xf32>
        %swap3A_107 = arith.index_cast %scan3A_46 : i32 to index
        %swap3A_108 = arith.constant 48 : index
        %swap3A_109 = tpu.vector_load %arg9[%swap3A_107, %swap3A_108] {strides = array<i32>} : memref<128x144xf32, #tpu.memory_space<vmem>>, vector<1x16xf32>,
        %swap3A_110 = vector.shape_cast %swap3A_109 : vector<1x16xf32> to vector<16xf32>
        %swap3A_111 = vector.shape_cast %mul3A_106 : vector<16xf32> to vector<1x16xf32>
        tpu.vector_store %arg9[%swap3A_107, %swap3A_108], %swap3A_111 {strides = array<i32>} : memref<128x144xf32, #tpu.memory_space<vmem>>, vector<1x16xf32>,
        %slice3A_112 = vector.extract_strided_slice %exp3A {offsets = [4], sizes = [1], strides = [1]} : vector<16xf32> to vector<1xf32>
        %squeeze3A_113 = vector.extract %slice3A_112[0] : f32 from vector<1xf32>
        %get3A_114 = arith.index_cast %scan3A_46 : i32 to index
        %get3A_115 = arith.constant 64 : index
        %get3A_116 = tpu.vector_load %arg9[%get3A_114, %get3A_115] {strides = array<i32>} : memref<128x144xf32, #tpu.memory_space<vmem>>, vector<1x16xf32>,
        %get3A_117 = vector.shape_cast %get3A_116 : vector<1x16xf32> to vector<16xf32>
        %mul3A_118 = vector.broadcast %squeeze3A_113 : f32 to vector<16xf32>
        %mul3A_119 = arith.mulf %get3A_117, %mul3A_118 : vector<16xf32>
        %swap3A_120 = arith.index_cast %scan3A_46 : i32 to index
        %swap3A_121 = arith.constant 64 : index
        %swap3A_122 = tpu.vector_load %arg9[%swap3A_120, %swap3A_121] {strides = array<i32>} : memref<128x144xf32, #tpu.memory_space<vmem>>, vector<1x16xf32>,
        %swap3A_123 = vector.shape_cast %swap3A_122 : vector<1x16xf32> to vector<16xf32>
        %swap3A_124 = vector.shape_cast %mul3A_119 : vector<16xf32> to vector<1x16xf32>
        tpu.vector_store %arg9[%swap3A_120, %swap3A_121], %swap3A_124 {strides = array<i32>} : memref<128x144xf32, #tpu.memory_space<vmem>>, vector<1x16xf32>,
        %slice3A_125 = vector.extract_strided_slice %exp3A {offsets = [5], sizes = [1], strides = [1]} : vector<16xf32> to vector<1xf32>
        %squeeze3A_126 = vector.extract %slice3A_125[0] : f32 from vector<1xf32>
        %get3A_127 = arith.index_cast %scan3A_46 : i32 to index
        %get3A_128 = arith.constant 80 : index
        %get3A_129 = tpu.vector_load %arg9[%get3A_127, %get3A_128] {strides = array<i32>} : memref<128x144xf32, #tpu.memory_space<vmem>>, vector<1x16xf32>,
        %get3A_130 = vector.shape_cast %get3A_129 : vector<1x16xf32> to vector<16xf32>
        %mul3A_131 = vector.broadcast %squeeze3A_126 : f32 to vector<16xf32>
        %mul3A_132 = arith.mulf %get3A_130, %mul3A_131 : vector<16xf32>
        %swap3A_133 = arith.index_cast %scan3A_46 : i32 to index
        %swap3A_134 = arith.constant 80 : index
        %swap3A_135 = tpu.vector_load %arg9[%swap3A_133, %swap3A_134] {strides = array<i32>} : memref<128x144xf32, #tpu.memory_space<vmem>>, vector<1x16xf32>,
        %swap3A_136 = vector.shape_cast %swap3A_135 : vector<1x16xf32> to vector<16xf32>
        %swap3A_137 = vector.shape_cast %mul3A_132 : vector<16xf32> to vector<1x16xf32>
        tpu.vector_store %arg9[%swap3A_133, %swap3A_134], %swap3A_137 {strides = array<i32>} : memref<128x144xf32, #tpu.memory_space<vmem>>, vector<1x16xf32>,
        %slice3A_138 = vector.extract_strided_slice %exp3A {offsets = [6], sizes = [1], strides = [1]} : vector<16xf32> to vector<1xf32>
        %squeeze3A_139 = vector.extract %slice3A_138[0] : f32 from vector<1xf32>
        %get3A_140 = arith.index_cast %scan3A_46 : i32 to index
        %get3A_141 = arith.constant 96 : index
        %get3A_142 = tpu.vector_load %arg9[%get3A_140, %get3A_141] {strides = array<i32>} : memref<128x144xf32, #tpu.memory_space<vmem>>, vector<1x16xf32>,
        %get3A_143 = vector.shape_cast %get3A_142 : vector<1x16xf32> to vector<16xf32>
        %mul3A_144 = vector.broadcast %squeeze3A_139 : f32 to vector<16xf32>
        %mul3A_145 = arith.mulf %get3A_143, %mul3A_144 : vector<16xf32>
        %swap3A_146 = arith.index_cast %scan3A_46 : i32 to index
        %swap3A_147 = arith.constant 96 : index
        %swap3A_148 = tpu.vector_load %arg9[%swap3A_146, %swap3A_147] {strides = array<i32>} : memref<128x144xf32, #tpu.memory_space<vmem>>, vector<1x16xf32>,
        %swap3A_149 = vector.shape_cast %swap3A_148 : vector<1x16xf32> to vector<16xf32>
        %swap3A_150 = vector.shape_cast %mul3A_145 : vector<16xf32> to vector<1x16xf32>
        tpu.vector_store %arg9[%swap3A_146, %swap3A_147], %swap3A_150 {strides = array<i32>} : memref<128x144xf32, #tpu.memory_space<vmem>>, vector<1x16xf32>,
        %slice3A_151 = vector.extract_strided_slice %exp3A {offsets = [7], sizes = [1], strides = [1]} : vector<16xf32> to vector<1xf32>
        %squeeze3A_152 = vector.extract %slice3A_151[0] : f32 from vector<1xf32>
        %get3A_153 = arith.index_cast %scan3A_46 : i32 to index
        %get3A_154 = arith.constant 112 : index
        %get3A_155 = tpu.vector_load %arg9[%get3A_153, %get3A_154] {strides = array<i32>} : memref<128x144xf32, #tpu.memory_space<vmem>>, vector<1x16xf32>,
        %get3A_156 = vector.shape_cast %get3A_155 : vector<1x16xf32> to vector<16xf32>
        %mul3A_157 = vector.broadcast %squeeze3A_152 : f32 to vector<16xf32>
        %mul3A_158 = arith.mulf %get3A_156, %mul3A_157 : vector<16xf32>
        %swap3A_159 = arith.index_cast %scan3A_46 : i32 to index
        %swap3A_160 = arith.constant 112 : index
        %swap3A_161 = tpu.vector_load %arg9[%swap3A_159, %swap3A_160] {strides = array<i32>} : memref<128x144xf32, #tpu.memory_space<vmem>>, vector<1x16xf32>,
        %swap3A_162 = vector.shape_cast %swap3A_161 : vector<1x16xf32> to vector<16xf32>
        %swap3A_163 = vector.shape_cast %mul3A_158 : vector<16xf32> to vector<1x16xf32>
        tpu.vector_store %arg9[%swap3A_159, %swap3A_160], %swap3A_163 {strides = array<i32>} : memref<128x144xf32, #tpu.memory_space<vmem>>, vector<1x16xf32>,
      }
      %scan3A_45 = arith.constant 128 : i32
      "tpu.region"() ({
        %run_scoped3A = tpu.sem_alloc : memref<!tpu.dma_semaphore, #tpu.memory_space<semaphore_mem>>
        %dma_start3A_46 = arith.constant 0 : i32
        %dma_start3A_47 = arith.constant 0 : i32
        %dma_start3A_48 = tpu.memref_slice %arg12[%dma_start3A_46, %dma_start3A_47] : memref<10240x144xf32, #tpu.memory_space<vmem_shared>> -> memref<10240x144xf32, #tpu.memory_space<vmem_shared>>
        tpu.enqueue_indirect_dma source(%arg9 : memref<128x144xf32, #tpu.memory_space<vmem>>) target(%dma_start3A_48 : memref<10240x144xf32, #tpu.memory_space<vmem_shared>>) offsets(%arg8 : memref<128xi32, #tpu.memory_space<vmem>>) semaphore(%run_scoped3A : memref<!tpu.dma_semaphore, #tpu.memory_space<semaphore_mem>>) {add = true}
        %dma_wait3A_49 = arith.constant 0 : i32
        %dma_wait3A_50 = arith.constant 0 : i32
        %dma_wait3A_51 = tpu.memref_slice %arg12[%dma_wait3A_49, %dma_wait3A_50] : memref<10240x144xf32, #tpu.memory_space<vmem_shared>> -> memref<10240x144xf32, #tpu.memory_space<vmem_shared>>
        tpu.wait_indirect_dma semaphore(%run_scoped3A : memref<!tpu.dma_semaphore, #tpu.memory_space<semaphore_mem>>) src(%arg9 : memref<128x144xf32, #tpu.memory_space<vmem>>) dst(%dma_wait3A_51 : memref<10240x144xf32, #tpu.memory_space<vmem_shared>>)
        tpu.yield
      }) : () -> ()
    }
    %scan3A_18 = arith.constant 81 : i32
    %barrier3A_19 = arith.constant 0 : index
    tpu.barrier barrier_id(%barrier3A_19)
    %mul3A_20 = arith.constant 640 : i32
    %mul3A_21 = arith.muli %arg1, %mul3A_20 : i32
    %scan3A_22 = arith.constant 0 : i32
    %scan3A_23 = arith.constant 80 : i32
    %scan3A_24 = arith.addi %scan3A_22, %scan3A_23 : i32
    %scan3A_25 = arith.constant 1 : i32
    scf.for %scan3A_27 = %scan3A_22 to %scan3A_24 step %scan3A_25  : i32 {
      %mul3A_28 = arith.constant 8 : i32
      %mul3A_29 = arith.muli %scan3A_27, %mul3A_28 : i32
      %add3A_30 = arith.addi %mul3A_21, %mul3A_29 : i32
      %mul3A_31 = arith.constant 8 : i32
      %mul3A_32 = arith.muli %scan3A_27, %mul3A_31 : i32
      %add3A_33 = arith.addi %mul3A_21, %mul3A_32 : i32
      "tpu.region"() ({
        %run_scoped3A = tpu.sem_alloc : memref<!tpu.dma_semaphore, #tpu.memory_space<semaphore_mem>>
        %dma_start3A = arith.constant 0 : i32
        %dma_start3A_34 = tpu.memref_slice %arg6[%arg0, %add3A_33, %dma_start3A] : memref<2x10240x144xf32, #tpu.memory_space<hbm>> -> memref<1x8x144xf32, #tpu.memory_space<hbm>>
        %dma_start3A_35 = tpu.memref_squeeze %dma_start3A_34 : memref<1x8x144xf32, #tpu.memory_space<hbm>> -> memref<8x144xf32, #tpu.memory_space<hbm>>
        %dma_start3A_36 = arith.constant 0 : i32
        %dma_start3A_37 = tpu.memref_slice %arg12[%add3A_30, %dma_start3A_36] : memref<10240x144xf32, #tpu.memory_space<vmem_shared>> -> memref<8x144xf32, #tpu.memory_space<vmem_shared>>
        tpu.enqueue_dma source(%dma_start3A_37 : memref<8x144xf32, #tpu.memory_space<vmem_shared>>) target(%dma_start3A_35 : memref<8x144xf32, #tpu.memory_space<hbm>>) target_semaphore(%run_scoped3A : memref<!tpu.dma_semaphore, #tpu.memory_space<semaphore_mem>>)
        %dma_wait3A = arith.constant 0 : i32
        %dma_wait3A_38 = tpu.memref_slice %arg6[%arg0, %add3A_33, %dma_wait3A] : memref<2x10240x144xf32, #tpu.memory_space<hbm>> -> memref<1x8x144xf32, #tpu.memory_space<hbm>>
        %dma_wait3A_39 = tpu.memref_squeeze %dma_wait3A_38 : memref<1x8x144xf32, #tpu.memory_space<hbm>> -> memref<8x144xf32, #tpu.memory_space<hbm>>
        %dma_wait3A_40 = arith.constant 0 : i32
        %dma_wait3A_41 = tpu.memref_slice %arg12[%add3A_30, %dma_wait3A_40] : memref<10240x144xf32, #tpu.memory_space<vmem_shared>> -> memref<8x144xf32, #tpu.memory_space<vmem_shared>>
        tpu.wait_dma2 semaphore(%run_scoped3A : memref<!tpu.dma_semaphore, #tpu.memory_space<semaphore_mem>>) src(%dma_wait3A_41 : memref<8x144xf32, #tpu.memory_space<vmem_shared>>) dst(%dma_wait3A_39 : memref<8x144xf32, #tpu.memory_space<hbm>>)
        tpu.yield
      }) : () -> ()
    }
    %scan3A_26 = arith.constant 80 : i32
    return
  }
}

module attributes {stable_mosaic.version = 14 : i64} {
  func.func @_tc1_body(%arg0: i32, %arg1: memref<512x128xf32, #tpu.memory_space<vmem>>, %arg2: memref<128x128xf32, #tpu.memory_space<vmem>>, %arg3: memref<128x32xf32, #tpu.memory_space<vmem>>, %arg4: memref<512x144xf32, #tpu.memory_space<vmem>>, %arg5: memref<512x16xf32, #tpu.memory_space<vmem>>) attributes {dimension_semantics = [#tpu.dimension_semantics<arbitrary>], iteration_bounds = array<i64: 20>, scalar_prefetch = 0 : i64, scratch_operands = 0 : i64, tpu.core_type = #tpu.core_type<tc>, window_params = [{transform_indices = @transform_0, window_bounds = array<i64: 512, 128>}, {pipeline_mode = #tpu.pipeline_mode<synchronous>, transform_indices = @transform_1, window_bounds = array<i64: 128, 128>}, {pipeline_mode = #tpu.pipeline_mode<synchronous>, transform_indices = @transform_2, window_bounds = array<i64: 128, 32>}, {transform_indices = @transform_3, window_bounds = array<i64: 512, 144>}, {transform_indices = @transform_4, window_bounds = array<i64: 512, 16>}]} {
    %get3A = arith.constant 0 : index
    %get3A_0 = arith.constant 0 : index
    %get3A_1 = vector.load %arg1[%get3A, %get3A_0] : memref<512x128xf32, #tpu.memory_space<vmem>>, vector<512x128xf32>
    %get3A_2 = arith.constant 0 : index
    %get3A_3 = arith.constant 0 : index
    %get3A_4 = vector.load %arg2[%get3A_2, %get3A_3] : memref<128x128xf32, #tpu.memory_space<vmem>>, vector<128x128xf32>
    %dot_general3A = arith.constant dense<0.000000e+00> : vector<512x128xf32>
    %dot_general3A_5 = tpu.matmul %get3A_1, %get3A_4, %dot_general3A {dimension_numbers = #tpu.dot_dimension_numbers<[1], [0], [0], [1], [0, 0, 1, 1], [], []>, transpose_lhs_hint = false} : vector<512x128xf32>, vector<128x128xf32>, vector<512x128xf32> -> vector<512x128xf32>
    %get3A_6 = arith.constant 0 : index
    %get3A_7 = arith.constant 0 : index
    %get3A_8 = vector.load %arg3[%get3A_6, %get3A_7] : memref<128x32xf32, #tpu.memory_space<vmem>>, vector<128x32xf32>
    %dot_general3A_9 = arith.constant dense<0.000000e+00> : vector<512x32xf32>
    %dot_general3A_10 = tpu.matmul %dot_general3A_5, %get3A_8, %dot_general3A_9 {dimension_numbers = #tpu.dot_dimension_numbers<[1], [0], [0], [1], [0, 0, 1, 1], [], []>, transpose_lhs_hint = false} : vector<512x128xf32>, vector<128x32xf32>, vector<512x32xf32> -> vector<512x32xf32>
    %slice3A = vector.extract_strided_slice %dot_general3A_10 {offsets = [0, 0], sizes = [512, 16], strides = [1, 1]} : vector<512x32xf32> to vector<512x16xf32>
    %concatenate3A = tpu.concatenate %dot_general3A_5, %slice3A in 1 : vector<512x128xf32>, vector<512x16xf32> -> vector<512x144xf32>
    %swap3A = arith.constant 0 : index
    %swap3A_11 = arith.constant 0 : index
    %swap3A_12 = vector.load %arg4[%swap3A, %swap3A_11] : memref<512x144xf32, #tpu.memory_space<vmem>>, vector<512x144xf32>
    tpu.vector_store %arg4[%swap3A, %swap3A_11], %concatenate3A {strides = array<i32>} : memref<512x144xf32, #tpu.memory_space<vmem>>, vector<512x144xf32>,
    %slice3A_13 = vector.extract_strided_slice %dot_general3A_10 {offsets = [0, 16], sizes = [512, 16], strides = [1, 1]} : vector<512x32xf32> to vector<512x16xf32>
    %swap3A_14 = arith.constant 0 : index
    %swap3A_15 = arith.constant 0 : index
    %swap3A_16 = vector.load %arg5[%swap3A_14, %swap3A_15] : memref<512x16xf32, #tpu.memory_space<vmem>>, vector<512x16xf32>
    tpu.vector_store %arg5[%swap3A_14, %swap3A_15], %slice3A_13 {strides = array<i32>} : memref<512x16xf32, #tpu.memory_space<vmem>>, vector<512x16xf32>,
    return
  }
  func.func @transform_0(%arg0: i32) -> (i32, i32) {
    %c0_i32 = arith.constant 0 : i32
    %c0_i32_0 = arith.constant 0 : i32
    return %arg0, %c0_i32 : i32, i32
  }
  func.func @transform_1(%arg0: i32) -> (i32, i32) {
    %c0_i32 = arith.constant 0 : i32
    %c0_i32_0 = arith.constant 0 : i32
    %c0_i32_1 = arith.constant 0 : i32
    return %c0_i32, %c0_i32_0 : i32, i32
  }
  func.func @transform_2(%arg0: i32) -> (i32, i32) {
    %c0_i32 = arith.constant 0 : i32
    %c0_i32_0 = arith.constant 0 : i32
    %c0_i32_1 = arith.constant 0 : i32
    return %c0_i32, %c0_i32_0 : i32, i32
  }
  func.func @transform_3(%arg0: i32) -> (i32, i32) {
    %c0_i32 = arith.constant 0 : i32
    %c0_i32_0 = arith.constant 0 : i32
    return %arg0, %c0_i32 : i32, i32
  }
  func.func @transform_4(%arg0: i32) -> (i32, i32) {
    %c0_i32 = arith.constant 0 : i32
    %c0_i32_0 = arith.constant 0 : i32
    return %arg0, %c0_i32 : i32, i32
  }
}

module attributes {stable_mosaic.version = 14 : i64} {
  func.func @_tc2_body(%arg0: i32, %arg1: memref<2x512x144xf32, #tpu.memory_space<vmem>>, %arg2: memref<1x128xf32, #tpu.memory_space<vmem>>, %arg3: memref<128x40xf32, #tpu.memory_space<vmem>>, %arg4: memref<40x2xf32, #tpu.memory_space<vmem>>, %arg5: memref<512x64xf32, #tpu.memory_space<vmem>>, %arg6: memref<512x16xf32, #tpu.memory_space<vmem>>) attributes {dimension_semantics = [#tpu.dimension_semantics<arbitrary>], iteration_bounds = array<i64: 20>, scalar_prefetch = 0 : i64, scratch_operands = 0 : i64, tpu.core_type = #tpu.core_type<tc>, window_params = [{transform_indices = @transform_0, window_bounds = array<i64: 2, 512, 144>}, {pipeline_mode = #tpu.pipeline_mode<synchronous>, transform_indices = @transform_1, window_bounds = array<i64: 1, 128>}, {pipeline_mode = #tpu.pipeline_mode<synchronous>, transform_indices = @transform_2, window_bounds = array<i64: 128, 40>}, {pipeline_mode = #tpu.pipeline_mode<synchronous>, transform_indices = @transform_3, window_bounds = array<i64: 40, 2>}, {transform_indices = @transform_4, window_bounds = array<i64: 512, 64>}, {transform_indices = @transform_5, window_bounds = array<i64: 512, 16>}]} {
    %get3A = arith.constant 0 : index
    %get3A_0 = arith.constant 0 : index
    %get3A_1 = arith.constant 0 : index
    %get3A_2 = vector.load %arg1[%get3A, %get3A_0, %get3A_1] : memref<2x512x144xf32, #tpu.memory_space<vmem>>, vector<1x512x128xf32>
    %get3A_3 = vector.shape_cast %get3A_2 : vector<1x512x128xf32> to vector<512x128xf32>
    %get3A_4 = arith.constant 1 : index
    %get3A_5 = arith.constant 0 : index
    %get3A_6 = arith.constant 0 : index
    %get3A_7 = vector.load %arg1[%get3A_4, %get3A_5, %get3A_6] : memref<2x512x144xf32, #tpu.memory_space<vmem>>, vector<1x512x128xf32>
    %get3A_8 = vector.shape_cast %get3A_7 : vector<1x512x128xf32> to vector<512x128xf32>
    %add3A = arith.addf %get3A_3, %get3A_8 : vector<512x128xf32>
    %get3A_9 = arith.constant 0 : index
    %get3A_10 = arith.constant 0 : index
    %get3A_11 = arith.constant 128 : index
    %get3A_12 = vector.load %arg1[%get3A_9, %get3A_10, %get3A_11] : memref<2x512x144xf32, #tpu.memory_space<vmem>>, vector<1x512x8xf32>
    %get3A_13 = vector.shape_cast %get3A_12 : vector<1x512x8xf32> to vector<512x8xf32>
    %get3A_14 = arith.constant 1 : index
    %get3A_15 = arith.constant 0 : index
    %get3A_16 = arith.constant 128 : index
    %get3A_17 = vector.load %arg1[%get3A_14, %get3A_15, %get3A_16] : memref<2x512x144xf32, #tpu.memory_space<vmem>>, vector<1x512x8xf32>
    %get3A_18 = vector.shape_cast %get3A_17 : vector<1x512x8xf32> to vector<512x8xf32>
    %add3A_19 = arith.addf %get3A_13, %get3A_18 : vector<512x8xf32>
    %add3A_20 = arith.constant 1.000000e-16 : f32
    %add3A_21 = vector.broadcast %add3A_20 : f32 to vector<512x8xf32>
    %add3A_22 = arith.addf %add3A_19, %add3A_21 : vector<512x8xf32>
    %div3A = arith.constant 1.000000e+00 : f32
    %div3A_23 = vector.broadcast %div3A : f32 to vector<512x8xf32>
    %div3A_24 = arith.divf %div3A_23, %add3A_22 : vector<512x8xf32>
    %broadcast_in_dim3A = vector.shape_cast %div3A_24 : vector<512x8xf32> to vector<512x8x1xf32>
    %broadcast_in_dim3A_25 = vector.shape_cast %broadcast_in_dim3A : vector<512x8x1xf32> to vector<512x8x1xf32>
    %broadcast_in_dim3A_26 = vector.broadcast %broadcast_in_dim3A_25 : vector<512x8x1xf32> to vector<512x8x16xf32>
    %reshape3A = vector.shape_cast %broadcast_in_dim3A_26 : vector<512x8x16xf32> to vector<512x128xf32>
    %mul3A = arith.mulf %add3A, %reshape3A : vector<512x128xf32>
    %get3A_27 = arith.constant 0 : index
    %get3A_28 = arith.constant 0 : index
    %get3A_29 = vector.load %arg2[%get3A_27, %get3A_28] : memref<1x128xf32, #tpu.memory_space<vmem>>, vector<1x128xf32>
    %add3A_30 = vector.broadcast %get3A_29 : vector<1x128xf32> to vector<512x128xf32>
    %add3A_31 = arith.addf %mul3A, %add3A_30 : vector<512x128xf32>
    %max3A = arith.constant 0.000000e+00 : f32
    %max3A_32 = vector.broadcast %max3A : f32 to vector<512x128xf32>
    %max3A_33 = arith.maximumf %add3A_31, %max3A_32 : vector<512x128xf32>
    %get3A_34 = arith.constant 0 : index
    %get3A_35 = arith.constant 0 : index
    %get3A_36 = vector.load %arg3[%get3A_34, %get3A_35] : memref<128x40xf32, #tpu.memory_space<vmem>>, vector<128x40xf32>
    %dot_general3A = arith.constant dense<0.000000e+00> : vector<512x40xf32>
    %dot_general3A_37 = tpu.matmul %max3A_33, %get3A_36, %dot_general3A {dimension_numbers = #tpu.dot_dimension_numbers<[1], [0], [0], [1], [0, 0, 1, 1], [], []>, transpose_lhs_hint = false} : vector<512x128xf32>, vector<128x40xf32>, vector<512x40xf32> -> vector<512x40xf32>
    %get3A_38 = arith.constant 0 : index
    %get3A_39 = arith.constant 0 : index
    %get3A_40 = vector.load %arg4[%get3A_38, %get3A_39] : memref<40x2xf32, #tpu.memory_space<vmem>>, vector<40x2xf32>
    %dot_general3A_41 = arith.constant dense<0.000000e+00> : vector<512x2xf32>
    %dot_general3A_42 = tpu.matmul %dot_general3A_37, %get3A_40, %dot_general3A_41 {dimension_numbers = #tpu.dot_dimension_numbers<[1], [0], [0], [1], [0, 0, 1, 1], [], []>, transpose_lhs_hint = false} : vector<512x40xf32>, vector<40x2xf32>, vector<512x2xf32> -> vector<512x2xf32>
    %broadcast_in_dim3A_43 = arith.constant 0.000000e+00 : f32
    %broadcast_in_dim3A_44 = vector.broadcast %broadcast_in_dim3A_43 : f32 to vector<512x8xf32>
    %slice3A = vector.extract_strided_slice %dot_general3A_42 {offsets = [0, 0], sizes = [512, 1], strides = [1, 1]} : vector<512x2xf32> to vector<512x1xf32>
    %broadcast_in_dim3A_45 = vector.shape_cast %slice3A : vector<512x1xf32> to vector<512x1xf32>
    %broadcast_in_dim3A_46 = vector.broadcast %broadcast_in_dim3A_45 : vector<512x1xf32> to vector<512x16xf32>
    %concatenate3A = tpu.concatenate %dot_general3A_37, %broadcast_in_dim3A_44, %broadcast_in_dim3A_46 in 1 : vector<512x40xf32>, vector<512x8xf32>, vector<512x16xf32> -> vector<512x64xf32>
    %swap3A = arith.constant 0 : index
    %swap3A_47 = arith.constant 0 : index
    %swap3A_48 = vector.load %arg5[%swap3A, %swap3A_47] : memref<512x64xf32, #tpu.memory_space<vmem>>, vector<512x64xf32>
    tpu.vector_store %arg5[%swap3A, %swap3A_47], %concatenate3A {strides = array<i32>} : memref<512x64xf32, #tpu.memory_space<vmem>>, vector<512x64xf32>,
    %slice3A_49 = vector.extract_strided_slice %dot_general3A_42 {offsets = [0, 1], sizes = [512, 1], strides = [1, 1]} : vector<512x2xf32> to vector<512x1xf32>
    %broadcast_in_dim3A_50 = vector.shape_cast %slice3A_49 : vector<512x1xf32> to vector<512x1xf32>
    %broadcast_in_dim3A_51 = vector.broadcast %broadcast_in_dim3A_50 : vector<512x1xf32> to vector<512x16xf32>
    %swap3A_52 = arith.constant 0 : index
    %swap3A_53 = arith.constant 0 : index
    %swap3A_54 = vector.load %arg6[%swap3A_52, %swap3A_53] : memref<512x16xf32, #tpu.memory_space<vmem>>, vector<512x16xf32>
    tpu.vector_store %arg6[%swap3A_52, %swap3A_53], %broadcast_in_dim3A_51 {strides = array<i32>} : memref<512x16xf32, #tpu.memory_space<vmem>>, vector<512x16xf32>,
    return
  }
  func.func @transform_0(%arg0: i32) -> (i32, i32, i32) {
    %c0_i32 = arith.constant 0 : i32
    %c0_i32_0 = arith.constant 0 : i32
    %c0_i32_1 = arith.constant 0 : i32
    return %c0_i32, %arg0, %c0_i32_0 : i32, i32, i32
  }
  func.func @transform_1(%arg0: i32) -> (i32, i32) {
    %c0_i32 = arith.constant 0 : i32
    %c0_i32_0 = arith.constant 0 : i32
    %c0_i32_1 = arith.constant 0 : i32
    return %c0_i32, %c0_i32_0 : i32, i32
  }
  func.func @transform_2(%arg0: i32) -> (i32, i32) {
    %c0_i32 = arith.constant 0 : i32
    %c0_i32_0 = arith.constant 0 : i32
    %c0_i32_1 = arith.constant 0 : i32
    return %c0_i32, %c0_i32_0 : i32, i32
  }
  func.func @transform_3(%arg0: i32) -> (i32, i32) {
    %c0_i32 = arith.constant 0 : i32
    %c0_i32_0 = arith.constant 0 : i32
    %c0_i32_1 = arith.constant 0 : i32
    return %c0_i32, %c0_i32_0 : i32, i32
  }
  func.func @transform_4(%arg0: i32) -> (i32, i32) {
    %c0_i32 = arith.constant 0 : i32
    %c0_i32_0 = arith.constant 0 : i32
    return %arg0, %c0_i32 : i32, i32
  }
  func.func @transform_5(%arg0: i32) -> (i32, i32) {
    %c0_i32 = arith.constant 0 : i32
    %c0_i32_0 = arith.constant 0 : i32
    return %arg0, %c0_i32 : i32, i32
  }
}

module attributes {stable_mosaic.version = 14 : i64} {
  func.func @_tc3_body(%arg0: i32, %arg1: memref<2x1000x64xf32, #tpu.memory_space<vmem>>, %arg2: memref<1x40xf32, #tpu.memory_space<vmem>>, %arg3: memref<1000x40xf32, #tpu.memory_space<vmem>>) attributes {dimension_semantics = [#tpu.dimension_semantics<arbitrary>], iteration_bounds = array<i64: 10>, scalar_prefetch = 0 : i64, scratch_operands = 0 : i64, tpu.core_type = #tpu.core_type<tc>, window_params = [{transform_indices = @transform_0, window_bounds = array<i64: 2, 1000, 64>}, {pipeline_mode = #tpu.pipeline_mode<synchronous>, transform_indices = @transform_1, window_bounds = array<i64: 1, 40>}, {transform_indices = @transform_2, window_bounds = array<i64: 1000, 40>}]} {
    %get3A = arith.constant 0 : index
    %get3A_0 = arith.constant 0 : index
    %get3A_1 = arith.constant 0 : index
    %get3A_2 = vector.load %arg1[%get3A, %get3A_0, %get3A_1] : memref<2x1000x64xf32, #tpu.memory_space<vmem>>, vector<1x1000x40xf32>
    %get3A_3 = vector.shape_cast %get3A_2 : vector<1x1000x40xf32> to vector<1000x40xf32>
    %get3A_4 = arith.constant 1 : index
    %get3A_5 = arith.constant 0 : index
    %get3A_6 = arith.constant 0 : index
    %get3A_7 = vector.load %arg1[%get3A_4, %get3A_5, %get3A_6] : memref<2x1000x64xf32, #tpu.memory_space<vmem>>, vector<1x1000x40xf32>
    %get3A_8 = vector.shape_cast %get3A_7 : vector<1x1000x40xf32> to vector<1000x40xf32>
    %add3A = arith.addf %get3A_3, %get3A_8 : vector<1000x40xf32>
    %get3A_9 = arith.constant 0 : index
    %get3A_10 = arith.constant 0 : index
    %get3A_11 = arith.constant 48 : index
    %get3A_12 = vector.load %arg1[%get3A_9, %get3A_10, %get3A_11] : memref<2x1000x64xf32, #tpu.memory_space<vmem>>, vector<1x1000x1xf32>
    %get3A_13 = vector.shape_cast %get3A_12 : vector<1x1000x1xf32> to vector<1000x1xf32>
    %get3A_14 = arith.constant 1 : index
    %get3A_15 = arith.constant 0 : index
    %get3A_16 = arith.constant 48 : index
    %get3A_17 = vector.load %arg1[%get3A_14, %get3A_15, %get3A_16] : memref<2x1000x64xf32, #tpu.memory_space<vmem>>, vector<1x1000x1xf32>
    %get3A_18 = vector.shape_cast %get3A_17 : vector<1x1000x1xf32> to vector<1000x1xf32>
    %add3A_19 = arith.addf %get3A_13, %get3A_18 : vector<1000x1xf32>
    %add3A_20 = arith.constant 1.000000e-16 : f32
    %add3A_21 = vector.broadcast %add3A_20 : f32 to vector<1000x1xf32>
    %add3A_22 = arith.addf %add3A_19, %add3A_21 : vector<1000x1xf32>
    %div3A = vector.broadcast %add3A_22 : vector<1000x1xf32> to vector<1000x40xf32>
    %div3A_23 = arith.divf %add3A, %div3A : vector<1000x40xf32>
    %get3A_24 = arith.constant 0 : index
    %get3A_25 = arith.constant 0 : index
    %get3A_26 = vector.load %arg2[%get3A_24, %get3A_25] : memref<1x40xf32, #tpu.memory_space<vmem>>, vector<1x40xf32>
    %add3A_27 = vector.broadcast %get3A_26 : vector<1x40xf32> to vector<1000x40xf32>
    %add3A_28 = arith.addf %div3A_23, %add3A_27 : vector<1000x40xf32>
    %swap3A = arith.constant 0 : index
    %swap3A_29 = arith.constant 0 : index
    %swap3A_30 = vector.load %arg3[%swap3A, %swap3A_29] : memref<1000x40xf32, #tpu.memory_space<vmem>>, vector<1000x40xf32>
    tpu.vector_store %arg3[%swap3A, %swap3A_29], %add3A_28 {strides = array<i32>} : memref<1000x40xf32, #tpu.memory_space<vmem>>, vector<1000x40xf32>,
    return
  }
  func.func @transform_0(%arg0: i32) -> (i32, i32, i32) {
    %c0_i32 = arith.constant 0 : i32
    %c0_i32_0 = arith.constant 0 : i32
    %c0_i32_1 = arith.constant 0 : i32
    return %c0_i32, %arg0, %c0_i32_0 : i32, i32, i32
  }
  func.func @transform_1(%arg0: i32) -> (i32, i32) {
    %c0_i32 = arith.constant 0 : i32
    %c0_i32_0 = arith.constant 0 : i32
    %c0_i32_1 = arith.constant 0 : i32
    return %c0_i32, %c0_i32_0 : i32, i32
  }
  func.func @transform_2(%arg0: i32) -> (i32, i32) {
    %c0_i32 = arith.constant 0 : i32
    %c0_i32_0 = arith.constant 0 : i32
    return %arg0, %c0_i32 : i32, i32
  }
}

</mosaic_0001>

<sc_bundles>
// kernel: kernel.10.cloned.1.call-start
scs
__scs_entry_jumppad:
0x0: {  	(pc) =	sbr.rel $0x88, $3  }
0x1: {  	(tag) =	ssettag $0x0;
	lr =	simm.s32 $0x1  }
0x2: {  	[smem:$0x3F97] =	sst lr;
	_ =	strace $0xD0000000  }
0x3: {  	_ = 	snop  }
0x4: {  	_ = 	snop  }
0x5: {  	_ = 	snop  }
0x6: {  	_ = 	snop  }
0x7: {  	_ = 	snop  }
__scs_overlays_trampoline_lowered:
0x8: {  	[smem:$0x3FA6] =	sst s0  }
0x9: {  	[smem:$0x3FA7] =	sst s1  }
0xa: {  	[smem:$0x3FA8] =	sst s2  }
0xb: {  	[smem:$0x3FA9] =	sst s3  }
0xc: {  	[smem:$0x3FAA] =	sst s4  }
0xd: {  	[smem:$0x3FAB] =	sst s5  }
0xe: {  	[smem:$0x3FAC] =	sst s6  }
0xf: {  	[smem:$0x3FAD] =	sst s7  }
0x10: {  	[smem:$0x3FAE] =	sst s8  }
0x11: {  	[smem:$0x3FAF] =	sst s9;
	s0 =	simm.s32 @!p0 $0x0  }
0x12: {  	s1 =	sld [smem:$0x3F95];
	s0 =	simm.s32 @p0 $0x1  }
0x13: {  	[smem:$0x3FB0] =	sst s0;
	s0 =	simm.s32 @!p1 $0x0  }
0x14: {  	s2 =	sld [smem:$0x3F94];
	s0 =	simm.s32 @p1 $0x1  }
0x15: {  	[smem:$0x3FB1] =	sst s0;
	s0 =	simm.s32 @!p2 $0x0  }
0x16: {  	s3 =	sld [smem:$0x3FDB];
	s0 =	simm.s32 @p2 $0x1  }
0x17: {  	s4 =	simm.s32 $0x1BF5;
	[smem:$0x3FB3] =	sst s0  }
0x18: {  	s0 =	sld [smem:$0x3F96];
	_ =	swait.ge [sflag:s4], $0x0  }
0x19: {  	s7 =	sld [smem:$0x3F97]  }
0x1a: {  	s8 =	sadd.s32 $0xFFFFE003, lr  }
0x1b: {  	s9 =	sadd.s32 $0xFFFFFEF7, lr;
	s5 =	simm.s32 $0xFFFFFFFF;
	p2 =	slt.u32 s8, $0xFFFFF086  }
0x1c: {  	p1 =	slt.u32 s9, $0xF7A;
	s5 =	simm.s32 @!p2 $0x0  }
0x1d: {  	s5 =	simm.s32 @p1 $0x1;
	p0 =	seq.s32 s7, s2  }
0x1e: {  	s7 =	smul.u32 @!p0 $0xF7A, s2;
	p2 =	seq.s32 @!p0 s5, $0x0  }
0x1f: {  	s9 =	smul.u32 $0xF7A, s1;
	s8 =	simm.s32 @!p0 $0x1BF5;
	p2 =	por !p2, p0  }
0x20: {  	[sflag:s8] =	ssyncset.s32 @!p0 $0xFFFFF086;
	s6 =	sadd.s32 @!p0 s3, s7;
	s7 =	simm.s32 @!p0 $0x108  }
0x21: {  	s3 =	sadd.s32 s3, s9;
	s6 =	sadd.s32 @!p0 $0x88, s6;
	s7 =	simm.s32 @p2 $0x1082  }
0x22: {  	[simem:s7], [sflag:s8] =	dma.local @!p0 [hbm:s6], $0xF7A  }
0x23: {  	s9 =	sor.u32 $0xD0000000, s2;
	s6 =	simm.s32 $0x108;
	_ =	swait.ge @!p0 [sflag:s8], $0x0  }
0x24: {  	s3 =	sadd.s32 $0x88, s3;
	s6 =	simm.s32 @!p1 $0x1082;
	[sflag:s4] =	ssyncset.s32 $0xFFFFF086  }
0x25: {  	[simem:s6], [sflag:s4] =	dma.local [hbm:s3], $0xF7A  }
0x26: {  	[smem:$0x3F97] =	sst s1;
	(tag) =	ssettag s2;
	_ =	strace s9  }
0x27: {  	s1 =	sld [smem:$0x3FA7]  }
0x28: {  	s2 =	sld [smem:$0x3FA8]  }
0x29: {  	s4 =	sld [smem:$0x3FAA]  }
0x2a: {  	p0 =	seq.s32 s5, $0x0;
	s5 =	sld [smem:$0x3FAB]  }
0x2b: {  	s6 =	sld [smem:$0x3FAC]  }
0x2c: {  	s7 =	sld [smem:$0x3FAD]  }
0x2d: {  	s3 =	simm.s32 $0x108;
	s8 =	sld [smem:$0x3FAE]  }
0x2e: {  	s3 =	simm.s32 @!p0 $0x1082;
	s9 =	sld [smem:$0x3FAF]  }
0x2f: {  	lr =	sadd.s32 s0, s3;
	s0 =	sld [smem:$0x3FA6]  }
0x30: {  	s3 =	sld [smem:$0x3FA9]  }
0x31: {  	[smem:$0x3FB2] =	sst s10  }
0x32: {  	s10 =	sld [smem:$0x3FB0];
	_ =	sdelay $0x3  }
0x33: {  	p0 =	seq.s32 s10, $0x1;
	s10 =	sld [smem:$0x3FB2];
	_ =	sdelay $0x3  }
0x34: {  	[smem:$0x3FB2] =	sst s10  }
0x35: {  	s10 =	sld [smem:$0x3FB1];
	_ =	sdelay $0x3  }
0x36: {  	p1 =	seq.s32 s10, $0x1;
	s10 =	sld [smem:$0x3FB2];
	_ =	sdelay $0x3  }
0x37: {  	[smem:$0x3FB2] =	sst s10  }
0x38: {  	s10 =	sld [smem:$0x3FB3]  }
0x39: {  	_ = 	snop;
	(pc) =	sbr.ind lr, $3  }
0x3a: {  	_ = 	snop  }
0x3b: {  	_ = 	snop  }
0x3c: {  	p2 =	seq.s32 s10, $0x1;
	s10 =	sld [smem:$0x3FB2]  }
0x3d: {  	_ =	shalt  }
0x3e: {  	_ =	shalt  }
0x3f: {  	_ =	shalt  }
0x40: {  	_ =	shalt  }
0x41: {  	_ =	shalt  }
0x42: {  	_ =	shalt  }
0x43: {  	_ =	shalt  }
0x44: {  	_ =	shalt  }
0x45: {  	_ =	shalt  }
0x46: {  	_ =	shalt  }
0x47: {  	_ =	shalt  }
0x48: {  	_ =	shalt  }
0x49: {  	_ =	shalt  }
0x4a: {  	_ =	shalt  }
0x4b: {  	_ =	shalt  }
0x4c: {  	_ =	shalt  }
0x4d: {  	_ =	shalt  }
0x4e: {  	_ =	shalt  }
0x4f: {  	_ =	shalt  }
0x50: {  	_ =	shalt  }
0x51: {  	_ =	shalt  }
0x52: {  	_ =	shalt  }
0x53: {  	_ =	shalt  }
0x54: {  	_ =	shalt  }
0x55: {  	_ =	shalt  }
0x56: {  	_ =	shalt  }
0x57: {  	_ =	shalt  }
0x58: {  	_ =	shalt  }
0x59: {  	_ =	shalt  }
0x5a: {  	_ =	shalt  }
0x5b: {  	_ =	shalt  }
0x5c: {  	_ =	shalt  }
0x5d: {  	_ =	shalt  }
0x5e: {  	_ =	shalt  }
0x5f: {  	_ =	shalt  }
0x60: {  	_ =	shalt  }
0x61: {  	_ =	shalt  }
0x62: {  	_ =	shalt  }
0x63: {  	_ =	shalt  }
0x64: {  	_ =	shalt  }
0x65: {  	_ =	shalt  }
0x66: {  	_ =	shalt  }
0x67: {  	_ =	shalt  }
0x68: {  	_ =	shalt  }
0x69: {  	_ =	shalt  }
0x6a: {  	_ =	shalt  }
0x6b: {  	_ =	shalt  }
0x6c: {  	_ =	shalt  }
0x6d: {  	_ =	shalt  }
0x6e: {  	_ =	shalt  }
0x6f: {  	_ =	shalt  }
0x70: {  	_ =	shalt  }
0x71: {  	_ =	shalt  }
0x72: {  	_ =	shalt  }
0x73: {  	_ =	shalt  }
0x74: {  	_ =	shalt  }
0x75: {  	_ =	shalt  }
0x76: {  	_ =	shalt  }
0x77: {  	_ =	shalt  }
0x78: {  	_ =	shalt  }
0x79: {  	_ =	shalt  }
0x7a: {  	_ =	shalt  }
0x7b: {  	_ =	shalt  }
0x7c: {  	_ =	shalt  }
0x7d: {  	_ =	shalt  }
0x7e: {  	_ =	shalt  }
0x7f: {  	_ =	shalt  }
0x80: {  	_ =	shalt  }
0x81: {  	_ =	shalt  }
0x82: {  	_ =	shalt  }
0x83: {  	_ =	shalt  }
0x84: {  	_ =	shalt  }
0x85: {  	_ =	shalt  }
0x86: {  	_ =	shalt  }
0x87: {  	_ =	shalt  }
.Lfunc_end0:
.L_simem_size_0:
called_computation.1_lowered:
.L_overlay_start_0:
0x88: {  	s2 =	sld [smem:$0x3FD9]  }
0x89: {  	s3 =	sld [smem:$0x3FFE];
	_ =	sdelay $0x1  }
0x8a: {  	s1 =	srdreg.scid  }
0x8b: {  	s0 =	sand.u32 $0x1, s1  }
0x8c: {  	s17 =	sshll.u32 s0, $0xA;
	s2 =	sadd.s32 s3, s2  }
0x8d: {  	s2 =	sadd.s32 s2, s17  }
0x8e: {  	[smem:$0x3FBE] =	sst s2  }
0x8f: {  	_ = 	snop  }
0x90: {  	s2 =	sld [smem:$0x3FD0];
	(tm) =	ssettm $0x1  }
0x91: {  	s18 =	sld [smem:$0x3FFB];
	_ =	sdelay $0x3  }
0x92: {  	_ =	strace s18  }
0x93: {  	s3 =	sld [smem:$0x3FFC];
	_ =	sdelay $0x3  }
0x94: {  	_ =	strace s3  }
0x95: {  	s3 =	sld [smem:$0x3FFD];
	_ =	sdelay $0x3  }
0x96: {  	_ =	strace s3  }
0x97: {  	_ =	strace $0x8FFFFFFF  }
0x98: {  	s19 =	sld [smem:$0x3FDB];
	_ =	sdelay $0x1  }
0x99: {  	s4 =	simm.s32 $_scs_section_size  }
0x9a: {  	s5 =	simm.s32 $_size__tile_overlayer_lowered;
	s6 =	simm.s32 $_tile_overlayer_lowered  }
0x9b: {  	s22 =	simm.s32 $0x1BFF;
	s21 =	sshll.u32 s6, $0x1;
	s3 =	sadd.s32 s4, s19  }
0x9c: {  	s7 =	simm.s32 $0x0;
	s20 =	sshll.u32 s5, $0x1;
	s5 =	sadd.s32 s21, s3  }
0x9d: {  	[timem:s7], [sflag:s22] =	dma.local [hbm:s5], s20  }
0x9e: {  	_ =	swait.ge [sflag:s22], s20  }
0x9f: {  	s4 =	ssub.s32 $0x0, s20;
	[sflag:s22] =	ssyncset.done $0x0  }
0xa0: {  	[sflag:s22] =	ssyncadd.s32 s4;
	_ =	sdelay $0x1  }
0xa1: {  	s23 =	simm.s32 $0x1B8B  }
0xa2: {  	_ =	swait.ge [sflag:s23], $0x1  }
0xa3: {  	[sflag:s23] =	ssyncset.done $0x0  }
0xa4: {  	s25 =	simm.s32 $0x1B8E;
	s24 =	sld [smem:$0x3FFE];
	[sflag:s23] =	ssyncadd.s32 $0xFFFFFFFF  }
0xa5: {  	s26 =	simm.s32 $execute0_lowered;
	[smem:$0x3FD2] =	sst s25  }
0xa6: {  	s5 =	sshll.u32 s26, $0x1;
	_ =	strace $0x80000049;
	[dreg:$0x1] =	wrdreg $0xFFFFFFFF  }
0xa7: {  	s28 =	simm.s32 $_size_execute0_lowered;
	s3 =	sadd.s32 s3, s5;
	[dreg:$0x0] =	wrdreg $0x0  }
0xa8: {  	s5 =	sshll.u32 s28, $0x1;
	[dreg:$0x2] =	wrdreg s3  }
0xa9: {  	[dreg:$0x3] =	wrdreg s5  }
0xaa: {  	[dreg:$0x4] =	wrdreg $0xC0  }
0xab: {  	_ =	task [dreg:s7], $0x5FFFF  }
0xac: {  	[dreg:$0x1] =	wrdreg $0xFFFFFFFF  }
0xad: {  	[dreg:$0x0] =	wrdreg $0x60  }
0xae: {  	[dreg:$0x2] =	wrdreg s2  }
0xaf: {  	[dreg:$0x3] =	wrdreg s24  }
0xb0: {  	[dreg:$0x4] =	wrdreg $0x2B000  }
0xb1: {  	[dreg:$0x5] =	wrdreg $0x9  }
0xb2: {  	_ =	task.clear_ibuf [dreg:s7], $0x6FFFF;
	_ =	strace $0x90000049  }
0xb3: {  	s29 =	simm.s32 $0x9;
	_ =	strace $0x8000004B  }
0xb4: {  	_ =	swait.ge [sflag:s29], $0x1  }
0xb5: {  	[sflag:s29] =	ssyncadd.s32 $0xFFFFFFFF  }
0xb6: {  	_ =	strace $0x9000004B  }
0xb7: {  	_ =	sfence  }
0xb8: {  	s30 =	sld [smem:$0x0];
	_ =	sdelay $0x2  }
0xb9: {  	s31 =	sshll.u32 s1, $0xD;
	s1 =	sshrl.u32 s1, $0x2  }
0xba: {  	s3 =	sand.u32 $0x4000, s31;
	s1 =	sadd.s32 s1, s30  }
0xbb: {  	s0 =	sor.u32 s3, s0;
	s1 =	sshll.u32 s1, $0x11  }
0xbc: {  	s0 =	sor.u32 s1, s0  }
0xbd: {  	s0 =	sadd.s32 $0x8F2B, s0  }
0xbe: {  	[sflag:s0] =	ssyncadd.remote.s32 $0x1  }
0xbf: {  	_ =	sfence.sel $0xFFFF  }
0xc0: {  	[dreg:$0x0] =	wrdreg $0xFFFFFFFF;
	(pc) =	sbr.abs _section_cstart, $3  }
0xc1: {  	[dreg:$0x1] =	wrdreg $0xFFFFFFFF  }
0xc2: {  	_ =	task.clear_ibuf [dreg:s7], $0x2FFFF;
	_ =	strace $0x9FFFFFFF  }
0xc3: {  	(tm) =	ssettm $0x7FFFFFFF  }
tec
execute0_lowered:
.L_overlay_start_1:
0x0: {  	(tag) =	ssettag $0x1  }
0x1: {  	s1 =	rddreg [dreg:$0x0]  }
0x2: {  	s8 =	rddreg [dreg:$0x1]  }
0x3: {  	s2 =	rddreg [dreg:$0x2]  }
0x4: {  	s3 =	srdreg.scid;
	s0 =	rddreg [dreg:$0x3];
	s4 =	simm.s32 $0x0  }
0x5: {  	s14 =	simm.s32 $0x80;
	s15 =	simm.s32 $0x100;
	s16 =	simm.s32 $0x2100  }
0x6: {  	s17 =	simm.s32 $0x1;
	s9 =	sand.u32 $0x1, s3;
	s3 =	stileid.u32  }
0x7: {  	s18 =	simm.s32 $0x2;
	[smem:$0x7FF] =	sst s4;
	s7 =	smul.u32 $0xA0000, s9  }
0x8: {  	s5 =	sadd.s32 $0x32400, s8;
	s6 =	sadd.s32 $0x1200, s8;
	s10 =	smul.u32 $0xA000, s3  }
0x9: {  	s11 =	smul.u32 $0x28000, s3;
	s28 =	ssub.s32 $0x2, s9;
	s29 =	sshll.u32 s3, $0x1  }
0xa: {  	_ =	strace $0x8000004A;
	s13 =	sshrl.u32 s28, $0x1;
	s9 =	sor.u32 s9, s29  }
0xb: {  	s10 =	sadd.s32 s10, s7;
	s7 =	sadd.s32 $0x14C00, s8;
	s30 =	sshrl.u32 s11, $0x2  }
0xc: {  	s31 =	ssub.s32 s28, s13;
	s9 =	smul.u32 $0x2880, s9;
	s10 =	sshrl.u32 s10, $0x3  }
0xd: {  	s13 =	simm.s32 $0x3;
	s12 =	sadd.s32 s10, s8;
	s8 =	sadd.s32 s30, s2  }
0xe: {  	v0 =	vimm.f32 $0.0e+00;
	s10 =	smax.u32 s31, $0x1;
	s11 =	sadd.s32 $0x3C600, s12;
	s12 =	simm.s32 $0x2900  }
.LBB2_1:
0xf: {  	s19 =	simm.s32 $0x0;
	s20 =	simm.s32 $0x0  }
.LBB2_2:
0x10: {  	p0 =	sne.s32 s20, $0x7C0  }
.Ltmp0:
0x11: {  	_ = 	snop;
	(pc) =	sbr.rel @p0 .LBB2_2-.Ltmp0, $4  }
0x12: {  	s21 =	sand.u32 $0x700, s20  }
0x13: {  	s22 =	sand.u32 $0x30, s19;
	s21 =	sshrl.u32 s21, $0x2  }
0x14: {  	s21 =	sor.u32 s22, s21  }
0x15: {  	s19 =	sadd.s32 $0x10, s19;
	s20 =	sadd.s32 $0x40, s20;
	[tilespmem:s21+$0x2900] =	vst v0  }
0x16: {  	s19 =	sadd.s32 $0x0, s8  }
0x17: {  	[spmem:s19] =	stream.linear.scatter [tilespmem:s12], [sflag:$0x3], $0x200, $0x38;
	[tilespmem:$0xCB00] =	vst v63  }
0x18: {  	s19 =	simm.s32 $0x800;
	_ =	swait.ge [sflag:s13], $0x200  }
.LBB2_4:
0x19: {  	s20 =	sshra.s32 s19, $0x2;
	[sflag:s13] =	ssyncset.done $0x0;
	p0 =	sne.s32 s19, $0x27800  }
.Ltmp1:
0x1a: {  	s20 =	sadd.s32 s20, s8;
	[sflag:s13] =	ssyncadd.s32 $0xFFFFFE00;
	(pc) =	sbr.rel @p0 .LBB2_4-.Ltmp1, $3  }
0x1b: {  	[spmem:s20] =	stream.linear.scatter [tilespmem:s12], [sflag:$0x3], $0x200, $0x38;
	[tilespmem:$0xCB00] =	vst v63  }
0x1c: {  	s19 =	sadd.s32 $0x800, s19;
	_ =	sdelay $0x1  }
0x1d: {  	_ =	swait.ge [sflag:s13], $0x200  }
0x1e: {  	[sflag:s13] =	ssyncset.done $0x0  }
0x1f: {  	[sflag:s13] =	ssyncadd.s32 $0xFFFFFE00  }
0x20: {  	s19 =	simm.s32 $0x0;
	s20 =	simm.s32 $0x0;
	[bflag:$0x0] =	sbarrier.arrive $0xFFFF  }
.LBB2_6:
0x21: {  	s21 =	sshll.u32 s20, $0x7  }
0x22: {  	s21 =	sadd.s32 s9, s21  }
0x23: {  	s21 =	sshrl.u32 s21, $0x3  }
0x24: {  	s22 =	sadd.s32 s1, s21  }
0x25: {  	[tilespmem:s19], [sflag:$0x3] =	stream.linear.gather [hbm4b:s22+s19], $0x80, $0x38;
	[tilespmem:$0xCB00] =	vst v63  }
0x26: {  	_ =	swait.ge [sflag:s13], $0x80  }
0x27: {  	[sflag:s13] =	ssyncset.done $0x0  }
0x28: {  	s21 =	sadd.s32 s5, s21;
	[sflag:s13] =	ssyncadd.s32 $0xFFFFFF80  }
0x29: {  	[tilespmem:s14], [sflag:$0x3] =	stream.linear.gather [hbm4b:s21+s19], $0x80, $0x38;
	[tilespmem:$0xCB00] =	vst v63  }
0x2a: {  	_ =	swait.ge [sflag:s13], $0x80  }
0x2b: {  	[sflag:s13] =	ssyncset.done $0x0  }
0x2c: {  	[sflag:s13] =	ssyncadd.s32 $0xFFFFFF80  }
0x2d: {  	[tilespmem:s15], [sflag:$0x1] =	stream.indirect.gather [hbm4b:s6+s14], $0x40, s19, s14, $0xb8;
	[tilespmem:$0xCB00] =	vst v63  }
0x2e: {  	_ = 	snop  }
0x2f: {  	[tilespmem:s16], [sflag:$0x2] =	stream.indirect.gather [hbm4b:s7+s14], $0x10, s14, s14, $0xb8;
	[tilespmem:$0xCB00] =	vst v63  }
0x30: {  	_ =	swait.ge [sflag:s17], $0x2000  }
0x31: {  	[sflag:s17] =	ssyncset.done $0x0  }
0x32: {  	[sflag:s17] =	ssyncadd.s32 $0xFFFFE000  }
0x33: {  	_ =	swait.ge [sflag:s18], $0x800  }
0x34: {  	[sflag:s18] =	ssyncset.done $0x0  }
0x35: {  	s21 =	simm.s32 $0x120;
	[sflag:s18] =	ssyncadd.s32 $0xFFFFF800  }
0x36: {  	s24 =	simm.s32 $0x0;
	s23 =	simm.s32 $0x40;
	s22 =	simm.s32 $0x120;
	v1 =	vld [tilespmem:s21+$0x10]  }
.LBB2_7:
0x37: {  	p0 =	sne.s32 s23, $0x1FC0;
	v2 =	vld [tilespmem:s24+$0x2100];
	_ =	sdelay $0x4  }
0x38: {  	v1 =	vadd.f32 v2, v1;
	_ =	sdelay $0x1  }
0x39: {  	v2 =	vmul.f32 $2.000000030e-01, v1;
	_ =	sdelay $0x1  }
0x3a: {  	v1 =	vmax.f32 v1, v2  }
0x3b: {  	v1 =	vmul.f32 $1.442695020e+00, v1;
	_ =	sdelay $0x1  }
0x3c: {  	(erf) = vpow2.f32 v1;
	_ =	sdelay $0x3  }
0x3d: {  	v1 =	vld [tilespmem:s21+$0xFFFFFFF0]  }
0x3e: {  	v2 =	vld [tilespmem:s21+$0xFFFFFFE0]  }
0x3f: {  	v3 =	vld [tilespmem:s21+$0x0];
	_ =	sdelay $0x2  }
0x40: {  	v4 =	vpop (erf)  }
.Ltmp2:
0x41: {  	v2 =	vmul.f32 v4, v2;
	v1 =	vmul.f32 v4, v1;
	[tilespmem:s21+$0x10] =	vst v4;
	(pc) =	sbr.rel @p0 .LBB2_7-.Ltmp2, $4  }
0x42: {  	v3 =	vmul.f32 v4, v3  }
0x43: {  	[tilespmem:s21+$0xFFFFFFE0] =	vst v2  }
0x44: {  	s21 =	sadd.s32 $0x40, s21;
	[tilespmem:s22+$0xFFFFFFF0] =	vst v1  }
0x45: {  	s24 =	sshra.s32 s23, $0x2;
	s23 =	sadd.s32 $0x40, s23;
	v1 =	vld [tilespmem:s21+$0x10];
	[tilespmem:s22+$0x0] =	vst v3;
	s22 =	smov.u32 s21  }
0x46: {  	v2 =	vld [tilespmem:s24+$0x2100];
	_ =	sdelay $0x4  }
0x47: {  	v1 =	vadd.f32 v2, v1;
	_ =	sdelay $0x1  }
0x48: {  	v2 =	vmul.f32 $2.000000030e-01, v1;
	_ =	sdelay $0x1  }
0x49: {  	v1 =	vmax.f32 v1, v2  }
0x4a: {  	v1 =	vmul.f32 $1.442695020e+00, v1;
	_ =	sdelay $0x1  }
0x4b: {  	(erf) = vpow2.f32 v1;
	_ =	sdelay $0x4  }
0x4c: {  	v1 =	vld [tilespmem:s21+$0xFFFFFFE0]  }
0x4d: {  	v2 =	vld [tilespmem:s21+$0xFFFFFFF0]  }
0x4e: {  	v3 =	vld [tilespmem:s21+$0x0];
	_ =	sdelay $0x1  }
0x4f: {  	v4 =	vpop (erf)  }
0x50: {  	v1 =	vmul.f32 v4, v1  }
0x51: {  	v2 =	vmul.f32 v4, v2;
	[tilespmem:s21+$0x10] =	vst v4  }
0x52: {  	s20 =	sadd.s32 $0x1, s20;
	v3 =	vmul.f32 v4, v3;
	[tilespmem:s21+$0xFFFFFFE0] =	vst v1  }
0x53: {  	p0 =	sne.s32 s20, $0x51;
	[tilespmem:s22+$0xFFFFFFF0] =	vst v2  }
.Ltmp3:
0x54: {  	[tilespmem:s22+$0x0] =	vst v3;
	(pc) =	sbr.rel @p0 .LBB2_6-.Ltmp3, $4  }
0x55: {  	[spmem:s2] =	stream.indirect.scatter.add.f32 [tilespmem:s15], [sflag:$0x3], $0x40, s14, s14, $0xb8;
	[tilespmem:$0xCB00] =	vst v63  }
0x56: {  	_ =	swait.ge [sflag:s13], $0x2000  }
0x57: {  	[sflag:s13] =	ssyncset.done $0x0  }
0x58: {  	[sflag:s13] =	ssyncadd.s32 $0xFFFFE000  }
0x59: {  	[bflag:$0x0] =	sbarrier.arrive $0xFFFF;
	s19 =	sshll.u32 s3, $0x6  }
0x5a: {  	s20 =	sadd.s32 $0x0, s11;
	s21 =	sshrl.u32 s8, $0x3;
	s19 =	sor.u32 $0x1C03, s19  }
0x5b: {  	[hbm:s20], [sflag:s19] =	dma.local [spmem:s21], $0x40  }
0x5c: {  	s20 =	simm.s32 $0x40;
	s21 =	sadd.s32 $0x200, s8;
	_ =	swait.ge [sflag:s13], $0x40  }
.LBB2_10:
0x5d: {  	s22 =	sadd.s32 s20, s11;
	[sflag:s13] =	ssyncset.done $0x0;
	p0 =	sne.s32 s20, $0x13C0  }
.Ltmp4:
0x5e: {  	s23 =	sshrl.u32 s21, $0x3;
	[sflag:s13] =	ssyncadd.s32 $0xFFFFFFC0;
	(pc) =	sbr.rel @p0 .LBB2_10-.Ltmp4, $3  }
0x5f: {  	[hbm:s22], [sflag:s19] =	dma.local [spmem:s23], $0x40  }
0x60: {  	s20 =	sadd.s32 $0x40, s20;
	_ =	sdelay $0x1  }
0x61: {  	s21 =	sadd.s32 $0x200, s21;
	_ =	swait.ge [sflag:s13], $0x40  }
0x62: {  	s4 =	sadd.s32 $0x1, s4  }
0x63: {  	p0 =	sne.s32 s4, s10  }
.Ltmp5:
0x64: {  	_ = 	snop;
	(pc) =	sbr.rel @p0 .LBB2_1-.Ltmp5, $3  }
0x65: {  	_ =	sdelay $0x1  }
0x66: {  	[sflag:s13] =	ssyncset.done $0x0  }
0x67: {  	[sflag:s13] =	ssyncadd.s32 $0xFFFFFFC0  }
0x68: {  	_ =	sfence.sel $0x180000  }
0x69: {  	[bflag:$0x0] =	sbarrier.arrive $0xFFFF  }
0x6a: {  	p0 =	sne.s32 s3, $0x0;
	_ =	strace $0x9000004A  }
0x6b: {  	s0 =	sadd.s32 @!p0 $0x100000, s0;
	[bflag:$0x2] =	sbarrier.arrive $0xFFFF  }
0x6c: {  	[sflag:s0] =	ssyncadd.tile.s32 @!p0 $0x1;
	_ =	shalt  }
.Lfunc_end2:
_tile_overlayer_lowered:
.L_overlay_start_2:
0x6d: {  	(tag) =	ssettag $0x2  }
0x6e: {  	s0 =	rddreg [dreg:$0x0];
	s2 =	stileid.u32  }
0x6f: {  	s1 =	rddreg [dreg:$0x1];
	p0 =	sne.s32 s2, $0x0  }
0x70: {  	s3 =	rddreg [dreg:$0x2];
	[bflag:$0x3] =	sbarrier.arrive $0xFFFF;
	s2 =	simm.s32 @!p0 $0x1C03  }
0x71: {  	[timem:s3], [sflag:s2] =	dma.local @!p0 [hbm:s0], s1  }
0x72: {  	s0 =	simm.s32 @!p0 $0x3  }
0x73: {  	_ =	swait.ge @!p0 [sflag:s0], s1  }
0x74: {  	s1 =	ssub.s32 @!p0 $0x0, s1;
	[sflag:s0] =	ssyncset.done @!p0 $0x0  }
0x75: {  	[sflag:s0] =	ssyncadd.s32 @!p0 s1  }
0x76: {  	[bflag:$0x3] =	sbarrier.arrive $0xFFFF  }
0x77: {  	_ =	shalt  }

// kernel: kernel.7.cloned.1.call-start
scs
__scs_entry_jumppad:
0x0: {  	(pc) =	sbr.rel $0x88, $3  }
0x1: {  	(tag) =	ssettag $0x0;
	lr =	simm.s32 $0x1  }
0x2: {  	[smem:$0x3F97] =	sst lr;
	_ =	strace $0xD0000000  }
0x3: {  	_ = 	snop  }
0x4: {  	_ = 	snop  }
0x5: {  	_ = 	snop  }
0x6: {  	_ = 	snop  }
0x7: {  	_ = 	snop  }
__scs_overlays_trampoline_lowered:
0x8: {  	[smem:$0x3FA6] =	sst s0  }
0x9: {  	[smem:$0x3FA7] =	sst s1  }
0xa: {  	[smem:$0x3FA8] =	sst s2  }
0xb: {  	[smem:$0x3FA9] =	sst s3  }
0xc: {  	[smem:$0x3FAA] =	sst s4  }
0xd: {  	[smem:$0x3FAB] =	sst s5  }
0xe: {  	[smem:$0x3FAC] =	sst s6  }
0xf: {  	[smem:$0x3FAD] =	sst s7  }
0x10: {  	[smem:$0x3FAE] =	sst s8  }
0x11: {  	[smem:$0x3FAF] =	sst s9;
	s0 =	simm.s32 @!p0 $0x0  }
0x12: {  	s1 =	sld [smem:$0x3F95];
	s0 =	simm.s32 @p0 $0x1  }
0x13: {  	[smem:$0x3FB0] =	sst s0;
	s0 =	simm.s32 @!p1 $0x0  }
0x14: {  	s2 =	sld [smem:$0x3F94];
	s0 =	simm.s32 @p1 $0x1  }
0x15: {  	[smem:$0x3FB1] =	sst s0;
	s0 =	simm.s32 @!p2 $0x0  }
0x16: {  	s3 =	sld [smem:$0x3FDB];
	s0 =	simm.s32 @p2 $0x1  }
0x17: {  	s4 =	simm.s32 $0x1BF5;
	[smem:$0x3FB3] =	sst s0  }
0x18: {  	s0 =	sld [smem:$0x3F96];
	_ =	swait.ge [sflag:s4], $0x0  }
0x19: {  	s7 =	sld [smem:$0x3F97]  }
0x1a: {  	s8 =	sadd.s32 $0xFFFFE003, lr  }
0x1b: {  	s9 =	sadd.s32 $0xFFFFFEF7, lr;
	s5 =	simm.s32 $0xFFFFFFFF;
	p2 =	slt.u32 s8, $0xFFFFF086  }
0x1c: {  	p1 =	slt.u32 s9, $0xF7A;
	s5 =	simm.s32 @!p2 $0x0  }
0x1d: {  	s5 =	simm.s32 @p1 $0x1;
	p0 =	seq.s32 s7, s2  }
0x1e: {  	s7 =	smul.u32 @!p0 $0xF7A, s2;
	p2 =	seq.s32 @!p0 s5, $0x0  }
0x1f: {  	s9 =	smul.u32 $0xF7A, s1;
	s8 =	simm.s32 @!p0 $0x1BF5;
	p2 =	por !p2, p0  }
0x20: {  	[sflag:s8] =	ssyncset.s32 @!p0 $0xFFFFF086;
	s6 =	sadd.s32 @!p0 s3, s7;
	s7 =	simm.s32 @!p0 $0x108  }
0x21: {  	s3 =	sadd.s32 s3, s9;
	s6 =	sadd.s32 @!p0 $0x88, s6;
	s7 =	simm.s32 @p2 $0x1082  }
0x22: {  	[simem:s7], [sflag:s8] =	dma.local @!p0 [hbm:s6], $0xF7A  }
0x23: {  	s9 =	sor.u32 $0xD0000000, s2;
	s6 =	simm.s32 $0x108;
	_ =	swait.ge @!p0 [sflag:s8], $0x0  }
0x24: {  	s3 =	sadd.s32 $0x88, s3;
	s6 =	simm.s32 @!p1 $0x1082;
	[sflag:s4] =	ssyncset.s32 $0xFFFFF086  }
0x25: {  	[simem:s6], [sflag:s4] =	dma.local [hbm:s3], $0xF7A  }
0x26: {  	[smem:$0x3F97] =	sst s1;
	(tag) =	ssettag s2;
	_ =	strace s9  }
0x27: {  	s1 =	sld [smem:$0x3FA7]  }
0x28: {  	s2 =	sld [smem:$0x3FA8]  }
0x29: {  	s4 =	sld [smem:$0x3FAA]  }
0x2a: {  	p0 =	seq.s32 s5, $0x0;
	s5 =	sld [smem:$0x3FAB]  }
0x2b: {  	s6 =	sld [smem:$0x3FAC]  }
0x2c: {  	s7 =	sld [smem:$0x3FAD]  }
0x2d: {  	s3 =	simm.s32 $0x108;
	s8 =	sld [smem:$0x3FAE]  }
0x2e: {  	s3 =	simm.s32 @!p0 $0x1082;
	s9 =	sld [smem:$0x3FAF]  }
0x2f: {  	lr =	sadd.s32 s0, s3;
	s0 =	sld [smem:$0x3FA6]  }
0x30: {  	s3 =	sld [smem:$0x3FA9]  }
0x31: {  	[smem:$0x3FB2] =	sst s10  }
0x32: {  	s10 =	sld [smem:$0x3FB0];
	_ =	sdelay $0x3  }
0x33: {  	p0 =	seq.s32 s10, $0x1;
	s10 =	sld [smem:$0x3FB2];
	_ =	sdelay $0x3  }
0x34: {  	[smem:$0x3FB2] =	sst s10  }
0x35: {  	s10 =	sld [smem:$0x3FB1];
	_ =	sdelay $0x3  }
0x36: {  	p1 =	seq.s32 s10, $0x1;
	s10 =	sld [smem:$0x3FB2];
	_ =	sdelay $0x3  }
0x37: {  	[smem:$0x3FB2] =	sst s10  }
0x38: {  	s10 =	sld [smem:$0x3FB3]  }
0x39: {  	_ = 	snop;
	(pc) =	sbr.ind lr, $3  }
0x3a: {  	_ = 	snop  }
0x3b: {  	_ = 	snop  }
0x3c: {  	p2 =	seq.s32 s10, $0x1;
	s10 =	sld [smem:$0x3FB2]  }
0x3d: {  	_ =	shalt  }
0x3e: {  	_ =	shalt  }
0x3f: {  	_ =	shalt  }
0x40: {  	_ =	shalt  }
0x41: {  	_ =	shalt  }
0x42: {  	_ =	shalt  }
0x43: {  	_ =	shalt  }
0x44: {  	_ =	shalt  }
0x45: {  	_ =	shalt  }
0x46: {  	_ =	shalt  }
0x47: {  	_ =	shalt  }
0x48: {  	_ =	shalt  }
0x49: {  	_ =	shalt  }
0x4a: {  	_ =	shalt  }
0x4b: {  	_ =	shalt  }
0x4c: {  	_ =	shalt  }
0x4d: {  	_ =	shalt  }
0x4e: {  	_ =	shalt  }
0x4f: {  	_ =	shalt  }
0x50: {  	_ =	shalt  }
0x51: {  	_ =	shalt  }
0x52: {  	_ =	shalt  }
0x53: {  	_ =	shalt  }
0x54: {  	_ =	shalt  }
0x55: {  	_ =	shalt  }
0x56: {  	_ =	shalt  }
0x57: {  	_ =	shalt  }
0x58: {  	_ =	shalt  }
0x59: {  	_ =	shalt  }
0x5a: {  	_ =	shalt  }
0x5b: {  	_ =	shalt  }
0x5c: {  	_ =	shalt  }
0x5d: {  	_ =	shalt  }
0x5e: {  	_ =	shalt  }
0x5f: {  	_ =	shalt  }
0x60: {  	_ =	shalt  }
0x61: {  	_ =	shalt  }
0x62: {  	_ =	shalt  }
0x63: {  	_ =	shalt  }
0x64: {  	_ =	shalt  }
0x65: {  	_ =	shalt  }
0x66: {  	_ =	shalt  }
0x67: {  	_ =	shalt  }
0x68: {  	_ =	shalt  }
0x69: {  	_ =	shalt  }
0x6a: {  	_ =	shalt  }
0x6b: {  	_ =	shalt  }
0x6c: {  	_ =	shalt  }
0x6d: {  	_ =	shalt  }
0x6e: {  	_ =	shalt  }
0x6f: {  	_ =	shalt  }
0x70: {  	_ =	shalt  }
0x71: {  	_ =	shalt  }
0x72: {  	_ =	shalt  }
0x73: {  	_ =	shalt  }
0x74: {  	_ =	shalt  }
0x75: {  	_ =	shalt  }
0x76: {  	_ =	shalt  }
0x77: {  	_ =	shalt  }
0x78: {  	_ =	shalt  }
0x79: {  	_ =	shalt  }
0x7a: {  	_ =	shalt  }
0x7b: {  	_ =	shalt  }
0x7c: {  	_ =	shalt  }
0x7d: {  	_ =	shalt  }
0x7e: {  	_ =	shalt  }
0x7f: {  	_ =	shalt  }
0x80: {  	_ =	shalt  }
0x81: {  	_ =	shalt  }
0x82: {  	_ =	shalt  }
0x83: {  	_ =	shalt  }
0x84: {  	_ =	shalt  }
0x85: {  	_ =	shalt  }
0x86: {  	_ =	shalt  }
0x87: {  	_ =	shalt  }
.Lfunc_end0:
.L_simem_size_0:
called_computation_lowered:
.L_overlay_start_0:
0x88: {  	s2 =	sld [smem:$0x3FD9]  }
0x89: {  	s3 =	sld [smem:$0x3FFE];
	_ =	sdelay $0x1  }
0x8a: {  	s1 =	srdreg.scid  }
0x8b: {  	s0 =	sand.u32 $0x1, s1  }
0x8c: {  	s17 =	sshll.u32 s0, $0xA;
	s2 =	sadd.s32 s3, s2  }
0x8d: {  	s2 =	sadd.s32 s2, s17  }
0x8e: {  	[smem:$0x3FBE] =	sst s2  }
0x8f: {  	_ = 	snop  }
0x90: {  	s2 =	sld [smem:$0x3FD0];
	(tm) =	ssettm $0x1  }
0x91: {  	s18 =	sld [smem:$0x3FFB];
	_ =	sdelay $0x3  }
0x92: {  	_ =	strace s18  }
0x93: {  	s3 =	sld [smem:$0x3FFC];
	_ =	sdelay $0x3  }
0x94: {  	_ =	strace s3  }
0x95: {  	s3 =	sld [smem:$0x3FFD];
	_ =	sdelay $0x3  }
0x96: {  	_ =	strace s3  }
0x97: {  	_ =	strace $0x8FFFFFFF  }
0x98: {  	s19 =	sld [smem:$0x3FDB];
	_ =	sdelay $0x1  }
0x99: {  	s4 =	simm.s32 $_scs_section_size  }
0x9a: {  	s5 =	simm.s32 $_size__tile_overlayer_lowered;
	s6 =	simm.s32 $_tile_overlayer_lowered  }
0x9b: {  	s22 =	simm.s32 $0x1BFF;
	s21 =	sshll.u32 s6, $0x1;
	s3 =	sadd.s32 s4, s19  }
0x9c: {  	s7 =	simm.s32 $0x0;
	s20 =	sshll.u32 s5, $0x1;
	s5 =	sadd.s32 s21, s3  }
0x9d: {  	[timem:s7], [sflag:s22] =	dma.local [hbm:s5], s20  }
0x9e: {  	_ =	swait.ge [sflag:s22], s20  }
0x9f: {  	s4 =	ssub.s32 $0x0, s20;
	[sflag:s22] =	ssyncset.done $0x0  }
0xa0: {  	[sflag:s22] =	ssyncadd.s32 s4;
	_ =	sdelay $0x1  }
0xa1: {  	s23 =	simm.s32 $0x1B8B  }
0xa2: {  	_ =	swait.ge [sflag:s23], $0x1  }
0xa3: {  	[sflag:s23] =	ssyncset.done $0x0  }
0xa4: {  	s25 =	simm.s32 $0x1B8E;
	s24 =	sld [smem:$0x3FFE];
	[sflag:s23] =	ssyncadd.s32 $0xFFFFFFFF  }
0xa5: {  	s26 =	simm.s32 $execute0_lowered;
	[smem:$0x3FD2] =	sst s25  }
0xa6: {  	s5 =	sshll.u32 s26, $0x1;
	_ =	strace $0x80000046;
	[dreg:$0x1] =	wrdreg $0xFFFFFFFF  }
0xa7: {  	s28 =	simm.s32 $_size_execute0_lowered;
	s3 =	sadd.s32 s3, s5;
	[dreg:$0x0] =	wrdreg $0x0  }
0xa8: {  	s5 =	sshll.u32 s28, $0x1;
	[dreg:$0x2] =	wrdreg s3  }
0xa9: {  	[dreg:$0x3] =	wrdreg s5  }
0xaa: {  	[dreg:$0x4] =	wrdreg $0xC0  }
0xab: {  	_ =	task [dreg:s7], $0x5FFFF  }
0xac: {  	[dreg:$0x1] =	wrdreg $0xFFFFFFFF  }
0xad: {  	[dreg:$0x0] =	wrdreg $0x60  }
0xae: {  	[dreg:$0x2] =	wrdreg s2  }
0xaf: {  	[dreg:$0x3] =	wrdreg s24  }
0xb0: {  	[dreg:$0x4] =	wrdreg $0x55800  }
0xb1: {  	[dreg:$0x5] =	wrdreg $0x9  }
0xb2: {  	_ =	task.clear_ibuf [dreg:s7], $0x6FFFF;
	_ =	strace $0x90000046  }
0xb3: {  	s29 =	simm.s32 $0x9;
	_ =	strace $0x80000048  }
0xb4: {  	_ =	swait.ge [sflag:s29], $0x1  }
0xb5: {  	[sflag:s29] =	ssyncadd.s32 $0xFFFFFFFF  }
0xb6: {  	_ =	strace $0x90000048  }
0xb7: {  	_ =	sfence  }
0xb8: {  	s30 =	sld [smem:$0x0];
	_ =	sdelay $0x2  }
0xb9: {  	s31 =	sshll.u32 s1, $0xD;
	s1 =	sshrl.u32 s1, $0x2  }
0xba: {  	s3 =	sand.u32 $0x4000, s31;
	s1 =	sadd.s32 s1, s30  }
0xbb: {  	s0 =	sor.u32 s3, s0;
	s1 =	sshll.u32 s1, $0x11  }
0xbc: {  	s0 =	sor.u32 s1, s0  }
0xbd: {  	s0 =	sadd.s32 $0x8F2B, s0  }
0xbe: {  	[sflag:s0] =	ssyncadd.remote.s32 $0x1  }
0xbf: {  	_ =	sfence.sel $0xFFFF  }
0xc0: {  	[dreg:$0x0] =	wrdreg $0xFFFFFFFF;
	(pc) =	sbr.abs _section_cstart, $3  }
0xc1: {  	[dreg:$0x1] =	wrdreg $0xFFFFFFFF  }
0xc2: {  	_ =	task.clear_ibuf [dreg:s7], $0x2FFFF;
	_ =	strace $0x9FFFFFFF  }
0xc3: {  	(tm) =	ssettm $0x7FFFFFFF  }
tec
execute0_lowered:
.L_overlay_start_1:
0x0: {  	(tag) =	ssettag $0x1  }
0x1: {  	s1 =	rddreg [dreg:$0x0]  }
0x2: {  	s8 =	rddreg [dreg:$0x1]  }
0x3: {  	s2 =	rddreg [dreg:$0x2];
	s3 =	srdreg.scid  }
0x4: {  	s0 =	rddreg [dreg:$0x3];
	s4 =	simm.s32 $0x0;
	s14 =	simm.s32 $0x80  }
0x5: {  	s15 =	simm.s32 $0x100;
	s16 =	simm.s32 $0x4900;
	s17 =	simm.s32 $0x1  }
0x6: {  	s18 =	simm.s32 $0x2;
	s19 =	simm.s32 $0x0;
	s9 =	sand.u32 $0x1, s3  }
0x7: {  	s3 =	stileid.u32;
	[smem:$0x7FF] =	sst s4;
	s5 =	sadd.s32 $0x32400, s8  }
0x8: {  	s6 =	sadd.s32 $0x1200, s8;
	s7 =	sadd.s32 $0x2D400, s8;
	s10 =	smul.u32 $0x168000, s9  }
0x9: {  	s11 =	smul.u32 $0x16800, s3;
	_ =	strace $0x80000047;
	s26 =	ssub.s32 $0x2, s9  }
0xa: {  	s12 =	smul.u32 $0x5A000, s3;
	s29 =	sshll.u32 s3, $0x1;
	s28 =	sshrl.u32 s26, $0x1  }
0xb: {  	s30 =	sor.u32 s9, s29;
	s10 =	sadd.s32 s11, s10;
	s11 =	ssub.s32 s26, s28  }
0xc: {  	s31 =	sshrl.u32 s12, $0x2;
	s12 =	simm.s32 $0x5100;
	s10 =	sshrl.u32 s10, $0x3  }
0xd: {  	s9 =	smax.u32 s11, $0x1;
	s13 =	sadd.s32 s10, s8;
	s8 =	smul.u32 $0x2880, s30  }
0xe: {  	v0 =	vimm.f32 $0.0e+00;
	s10 =	sadd.s32 s31, s2;
	s11 =	sadd.s32 $0x3C600, s13;
	s13 =	simm.s32 $0x3  }
.LBB2_1:
0xf: {  	s20 =	smul.u32 $0x39, s4;
	_ =	sdelay $0x1  }
0x10: {  	s20 =	sshrl.u32 s20, $0x9  }
0x11: {  	s21 =	sand.u32 $0x7F, s20  }
0x12: {  	s20 =	simm.s32 $0x1;
	s22 =	smul.u32 $0x9, s21  }
0x13: {  	s23 =	smul.u32 $0x39, s20  }
0x14: {  	s25 =	smul.u32 $0x240, s21;
	s22 =	ssub.s32 $0x0, s22  }
0x15: {  	s21 =	simm.s32 $0x2;
	s26 =	sand.u32 $0xFF, s22  }
0x16: {  	s24 =	sshrl.u32 s23, $0x9;
	s22 =	sshrl.u32 s25, $0x2;
	s23 =	sshll.u32 s26, $0x4  }
.LBB2_2:
0x17: {  	s25 =	smul.u32 $0x39, s21;
	s24 =	sand.u32 $0x7F, s24  }
0x18: {  	s22 =	sadd.s32 s23, s22;
	p0 =	sne.s32 s21, $0x47;
	s23 =	smul.u32 $0x9, s24  }
.Ltmp0:
0x19: {  	[tilespmem:s22+$0x5100] =	vst v0;
	(pc) =	sbr.rel @p0 .LBB2_2-.Ltmp0, $4  }
0x1a: {  	s22 =	smul.u32 $0x240, s24;
	s24 =	smov.u32 s21  }
0x1b: {  	s21 =	sadd.s32 $0x1, s21;
	s20 =	ssub.s32 s20, s23  }
0x1c: {  	s23 =	sand.u32 $0xFF, s20;
	s20 =	smov.u32 s24  }
0x1d: {  	s22 =	sshrl.u32 s22, $0x2;
	s24 =	sshrl.u32 s25, $0x9;
	s23 =	sshll.u32 s23, $0x4  }
0x1e: {  	s21 =	sand.u32 $0x7F, s24  }
0x1f: {  	s24 =	smul.u32 $0x9, s21;
	_ =	sdelay $0x1  }
0x20: {  	s21 =	smul.u32 $0x240, s21;
	s20 =	ssub.s32 s20, s24  }
0x21: {  	s20 =	sand.u32 $0xFF, s20  }
0x22: {  	s22 =	sadd.s32 s23, s22;
	s21 =	sshrl.u32 s21, $0x2;
	s20 =	sshll.u32 s20, $0x4  }
0x23: {  	[tilespmem:s22+$0x5100] =	vst v0;
	s20 =	sadd.s32 s20, s21  }
0x24: {  	s31 =	sadd.s32 $0x0, s10;
	[tilespmem:s20+$0x5100] =	vst v0  }
0x25: {  	[spmem:s31] =	stream.linear.scatter [tilespmem:s12], [sflag:$0x3], $0x480, $0x38;
	[tilespmem:$0x1BD80] =	vst v63  }
0x26: {  	s20 =	simm.s32 $0x1200;
	_ =	swait.ge [sflag:s13], $0x480  }
.LBB2_4:
0x27: {  	s21 =	sshra.s32 s20, $0x2;
	[sflag:s13] =	ssyncset.done $0x0;
	p0 =	sne.s32 s20, $0x58E00  }
.Ltmp1:
0x28: {  	s21 =	sadd.s32 s21, s10;
	[sflag:s13] =	ssyncadd.s32 $0xFFFFFB80;
	(pc) =	sbr.rel @p0 .LBB2_4-.Ltmp1, $3  }
0x29: {  	[spmem:s21] =	stream.linear.scatter [tilespmem:s12], [sflag:$0x3], $0x480, $0x38;
	[tilespmem:$0x1BD80] =	vst v63  }
0x2a: {  	s20 =	sadd.s32 $0x1200, s20;
	_ =	sdelay $0x1  }
0x2b: {  	_ =	swait.ge [sflag:s13], $0x480  }
0x2c: {  	[sflag:s13] =	ssyncset.done $0x0  }
0x2d: {  	[sflag:s13] =	ssyncadd.s32 $0xFFFFFB80  }
0x2e: {  	s20 =	simm.s32 $0x0;
	s21 =	simm.s32 $0x0;
	[bflag:$0x0] =	sbarrier.arrive $0xFFFF  }
.LBB2_6:
0x2f: {  	s22 =	sshll.u32 s21, $0x7  }
0x30: {  	s22 =	sadd.s32 s8, s22  }
0x31: {  	s22 =	sshrl.u32 s22, $0x3  }
0x32: {  	s23 =	sadd.s32 s1, s22  }
0x33: {  	[tilespmem:s20], [sflag:$0x3] =	stream.linear.gather [hbm4b:s23+s20], $0x80, $0x38;
	[tilespmem:$0x1BD80] =	vst v63  }
0x34: {  	_ =	swait.ge [sflag:s13], $0x80  }
0x35: {  	[sflag:s13] =	ssyncset.done $0x0  }
0x36: {  	s22 =	sadd.s32 s5, s22;
	[sflag:s13] =	ssyncadd.s32 $0xFFFFFF80  }
0x37: {  	[tilespmem:s14], [sflag:$0x3] =	stream.linear.gather [hbm4b:s22+s20], $0x80, $0x38;
	[tilespmem:$0x1BD80] =	vst v63  }
0x38: {  	_ =	swait.ge [sflag:s13], $0x80  }
0x39: {  	[sflag:s13] =	ssyncset.done $0x0  }
0x3a: {  	[sflag:s13] =	ssyncadd.s32 $0xFFFFFF80  }
0x3b: {  	[tilespmem:s15], [sflag:$0x1] =	stream.indirect.gather [hbm4b:s6+s14], $0x90, s20, s14, $0xb8;
	[tilespmem:$0x1BD80] =	vst v63  }
0x3c: {  	_ = 	snop  }
0x3d: {  	[tilespmem:s16], [sflag:$0x2] =	stream.indirect.gather [hbm4b:s7+s14], $0x10, s14, s14, $0xb8;
	[tilespmem:$0x1BD80] =	vst v63  }
0x3e: {  	_ =	swait.ge [sflag:s17], $0x4800  }
0x3f: {  	[sflag:s17] =	ssyncset.done $0x0  }
0x40: {  	[sflag:s17] =	ssyncadd.s32 $0xFFFFB800  }
0x41: {  	_ =	swait.ge [sflag:s18], $0x800  }
0x42: {  	[sflag:s18] =	ssyncset.done $0x0  }
0x43: {  	s22 =	simm.s32 $0x140;
	[sflag:s18] =	ssyncadd.s32 $0xFFFFF800  }
0x44: {  	s25 =	simm.s32 $0x0;
	s24 =	simm.s32 $0x40;
	s23 =	simm.s32 $0x140;
	v1 =	vld [tilespmem:s22+$0x40]  }
.LBB2_7:
0x45: {  	p0 =	sne.s32 s24, $0x1FC0;
	v2 =	vld [tilespmem:s25+$0x4900];
	_ =	sdelay $0x4  }
0x46: {  	v1 =	vadd.f32 v2, v1;
	_ =	sdelay $0x1  }
0x47: {  	v2 =	vmul.f32 $2.000000030e-01, v1;
	_ =	sdelay $0x1  }
0x48: {  	v1 =	vmax.f32 v1, v2  }
0x49: {  	v1 =	vmul.f32 $1.442695020e+00, v1;
	_ =	sdelay $0x1  }
0x4a: {  	(erf) = vpow2.f32 v1;
	_ =	sdelay $0x4  }
0x4b: {  	v1 =	vld [tilespmem:s22+$0xFFFFFFF0]  }
0x4c: {  	v2 =	vld [tilespmem:s22+$0xFFFFFFD0]  }
0x4d: {  	v3 =	vld [tilespmem:s22+$0xFFFFFFC0]  }
0x4e: {  	v4 =	vld [tilespmem:s22+$0xFFFFFFE0]  }
0x4f: {  	v5 =	vld [tilespmem:s22+$0x30];
	v6 =	vpop (erf)  }
0x50: {  	[tilespmem:s22+$0x40] =	vst v6;
	v7 =	vbroadcast v6, $0x0;
	v8 =	vbroadcast v6, $0x1;
	v9 =	vld [tilespmem:s22+$0x10]  }
0x51: {  	v10 =	vbroadcast v6, $0x2;
	v11 =	vbroadcast v6, $0x3;
	v12 =	vld [tilespmem:s22+$0x0]  }
0x52: {  	v3 =	vmul.f32 v7, v3;
	v2 =	vmul.f32 v8, v2;
	v7 =	vld [tilespmem:s22+$0x20]  }
0x53: {  	v1 =	vmul.f32 v1, v11;
	v4 =	vmul.f32 v10, v4  }
0x54: {  	v8 =	vbroadcast v6, $0x5;
	[tilespmem:s22+$0xFFFFFFC0] =	vst v3;
	v3 =	vbroadcast v6, $0x4  }
0x55: {  	[tilespmem:s22+$0xFFFFFFD0] =	vst v2;
	v2 =	vbroadcast v6, $0x6;
	v6 =	vbroadcast v6, $0x7  }
0x56: {  	[tilespmem:s22+$0xFFFFFFE0] =	vst v4;
	v3 =	vmul.f32 v12, v3;
	v4 =	vmul.f32 v9, v8  }
.Ltmp2:
0x57: {  	[tilespmem:s22+$0xFFFFFFF0] =	vst v1;
	v1 =	vmul.f32 v7, v2;
	v2 =	vmul.f32 v5, v6;
	(pc) =	sbr.rel @p0 .LBB2_7-.Ltmp2, $4  }
0x58: {  	[tilespmem:s22+$0x0] =	vst v3  }
0x59: {  	[tilespmem:s22+$0x10] =	vst v4  }
0x5a: {  	s22 =	sadd.s32 $0x90, s22;
	[tilespmem:s23+$0x20] =	vst v1  }
0x5b: {  	s25 =	sshra.s32 s24, $0x2;
	s24 =	sadd.s32 $0x40, s24;
	v1 =	vld [tilespmem:s22+$0x40];
	[tilespmem:s23+$0x30] =	vst v2;
	s23 =	smov.u32 s22  }
0x5c: {  	v2 =	vld [tilespmem:s25+$0x4900];
	_ =	sdelay $0x4  }
0x5d: {  	v1 =	vadd.f32 v2, v1;
	_ =	sdelay $0x1  }
0x5e: {  	v2 =	vmul.f32 $2.000000030e-01, v1;
	_ =	sdelay $0x1  }
0x5f: {  	v1 =	vmax.f32 v1, v2  }
0x60: {  	v1 =	vmul.f32 $1.442695020e+00, v1;
	_ =	sdelay $0x1  }
0x61: {  	(erf) = vpow2.f32 v1;
	_ =	sdelay $0x6  }
0x62: {  	v2 =	vld [tilespmem:s22+$0xFFFFFFC0]  }
0x63: {  	v3 =	vld [tilespmem:s22+$0xFFFFFFD0]  }
0x64: {  	v4 =	vld [tilespmem:s22+$0xFFFFFFE0];
	v5 =	vpop (erf)  }
0x65: {  	v1 =	vld [tilespmem:s22+$0xFFFFFFF0];
	v7 =	vbroadcast v5, $0x0  }
0x66: {  	v10 =	vld [tilespmem:s22+$0x10];
	v8 =	vbroadcast v5, $0x1  }
0x67: {  	v9 =	vld [tilespmem:s22+$0x0];
	v11 =	vbroadcast v5, $0x2;
	v2 =	vmul.f32 v7, v2  }
0x68: {  	v60 =	vld [tilespmem:s22+$0x20];
	[tilespmem:s22+$0x40] =	vst v5;
	v59 =	vbroadcast v5, $0x3;
	v3 =	vmul.f32 v8, v3  }
0x69: {  	v6 =	vld [tilespmem:s22+$0x30];
	v61 =	vbroadcast v5, $0x5;
	v4 =	vmul.f32 v11, v4;
	[tilespmem:s22+$0xFFFFFFC0] =	vst v2  }
0x6a: {  	v1 =	vmul.f32 v1, v59;
	v2 =	vbroadcast v5, $0x4;
	[tilespmem:s22+$0xFFFFFFD0] =	vst v3  }
0x6b: {  	v63 =	vmul.f32 v10, v61;
	v3 =	vbroadcast v5, $0x6;
	[tilespmem:s22+$0xFFFFFFE0] =	vst v4  }
0x6c: {  	v62 =	vbroadcast v5, $0x7;
	[tilespmem:s22+$0xFFFFFFF0] =	vst v1;
	v2 =	vmul.f32 v9, v2  }
0x6d: {  	[tilespmem:s22+$0x10] =	vst v63;
	v1 =	vmul.f32 v60, v3  }
0x6e: {  	s21 =	sadd.s32 $0x1, s21;
	[tilespmem:s22+$0x0] =	vst v2;
	v2 =	vmul.f32 v6, v62  }
0x6f: {  	p0 =	sne.s32 s21, $0x51;
	[tilespmem:s23+$0x20] =	vst v1  }
.Ltmp3:
0x70: {  	[tilespmem:s23+$0x30] =	vst v2;
	(pc) =	sbr.rel @p0 .LBB2_6-.Ltmp3, $4  }
0x71: {  	[spmem:s2] =	stream.indirect.scatter.add.f32 [tilespmem:s15], [sflag:$0x3], $0x90, s14, s14, $0xb8;
	[tilespmem:$0x1BD80] =	vst v63  }
0x72: {  	_ =	swait.ge [sflag:s13], $0x4800  }
0x73: {  	[sflag:s13] =	ssyncset.done $0x0  }
0x74: {  	[sflag:s13] =	ssyncadd.s32 $0xFFFFB800  }
0x75: {  	[bflag:$0x0] =	sbarrier.arrive $0xFFFF;
	s20 =	sshll.u32 s3, $0x6  }
0x76: {  	s21 =	sadd.s32 $0x0, s11;
	s22 =	sshrl.u32 s10, $0x3;
	s20 =	sor.u32 $0x1C03, s20  }
0x77: {  	[hbm:s21], [sflag:s20] =	dma.local [spmem:s22], $0x90  }
0x78: {  	s21 =	simm.s32 $0x90;
	s22 =	sadd.s32 $0x480, s10;
	_ =	swait.ge [sflag:s13], $0x90  }
.LBB2_10:
0x79: {  	s23 =	sadd.s32 s21, s11;
	[sflag:s13] =	ssyncset.done $0x0;
	p0 =	sne.s32 s21, $0x2C70  }
.Ltmp4:
0x7a: {  	s24 =	sshrl.u32 s22, $0x3;
	[sflag:s13] =	ssyncadd.s32 $0xFFFFFF70;
	(pc) =	sbr.rel @p0 .LBB2_10-.Ltmp4, $3  }
0x7b: {  	[hbm:s23], [sflag:s20] =	dma.local [spmem:s24], $0x90  }
0x7c: {  	s21 =	sadd.s32 $0x90, s21;
	_ =	sdelay $0x1  }
0x7d: {  	s22 =	sadd.s32 $0x480, s22;
	_ =	swait.ge [sflag:s13], $0x90  }
0x7e: {  	s19 =	sadd.s32 $0x1, s19  }
0x7f: {  	p0 =	sne.s32 s19, s9  }
.Ltmp5:
0x80: {  	_ = 	snop;
	(pc) =	sbr.rel @p0 .LBB2_1-.Ltmp5, $3  }
0x81: {  	_ =	sdelay $0x1  }
0x82: {  	[sflag:s13] =	ssyncset.done $0x0  }
0x83: {  	[sflag:s13] =	ssyncadd.s32 $0xFFFFFF70  }
0x84: {  	_ =	sfence.sel $0x180000  }
0x85: {  	[bflag:$0x0] =	sbarrier.arrive $0xFFFF  }
0x86: {  	p0 =	sne.s32 s3, $0x0;
	_ =	strace $0x90000047  }
0x87: {  	s0 =	sadd.s32 @!p0 $0x100000, s0;
	[bflag:$0x2] =	sbarrier.arrive $0xFFFF  }
0x88: {  	[sflag:s0] =	ssyncadd.tile.s32 @!p0 $0x1;
	_ =	shalt  }
.Lfunc_end2:
_tile_overlayer_lowered:
.L_overlay_start_2:
0x89: {  	(tag) =	ssettag $0x2  }
0x8a: {  	s0 =	rddreg [dreg:$0x0];
	s2 =	stileid.u32  }
0x8b: {  	s1 =	rddreg [dreg:$0x1];
	p0 =	sne.s32 s2, $0x0  }
0x8c: {  	s3 =	rddreg [dreg:$0x2];
	[bflag:$0x3] =	sbarrier.arrive $0xFFFF;
	s2 =	simm.s32 @!p0 $0x1C03  }
0x8d: {  	[timem:s3], [sflag:s2] =	dma.local @!p0 [hbm:s0], s1  }
0x8e: {  	s0 =	simm.s32 @!p0 $0x3  }
0x8f: {  	_ =	swait.ge @!p0 [sflag:s0], s1  }
0x90: {  	s1 =	ssub.s32 @!p0 $0x0, s1;
	[sflag:s0] =	ssyncset.done @!p0 $0x0  }
0x91: {  	[sflag:s0] =	ssyncadd.s32 @!p0 s1  }
0x92: {  	[bflag:$0x3] =	sbarrier.arrive $0xFFFF  }
0x93: {  	_ =	shalt  }

</sc_bundles>
